<compile_context>
chip_gen: v7x
topology: tpu7x:2x2x1
jax: 0.10.2.dev20260603
libtpu: 0.0.44.dev20260713+nightly
codegen_flags: <defaults>
</compile_context>

<pallas_src>
import functools

import jax
import jax.numpy as jnp
from jax import lax
from jax.experimental import pallas as pl
from jax.experimental.pallas import tpu as pltpu
from jax.experimental.pallas import tpu_sc as plsc

NC = 2
NS = 16
LANES = 16
NW = NC * NS
K = 80
GRP = 5

N = 10000
H = 16
R_PAD = 10112
ROWS_TILE = R_PAD // NS


def _mesh():
    return plsc.VectorSubcoreMesh(core_axis_name="c", subcore_axis_name="s")


def _zero_fill(buf, rows):
    zvec = jnp.zeros((LANES,), jnp.float32)

    def body(i, carry):
        buf[i, :] = zvec
        return carry

    lax.fori_loop(0, rows, body, 0)


def _make_deg_kernel(n_chunks):

    @functools.partial(
        pl.kernel,
        mesh=_mesh(),
        out_type=jax.ShapeDtypeStruct((NC, R_PAD, H), jnp.float32),
        compiler_params=pltpu.CompilerParams(use_tc_tiling_on_sc=False),
        scratch_types=[
            pltpu.VMEM((n_chunks, K), jnp.int32),
            pltpu.VMEM((ROWS_TILE, H), jnp.float32),
            pltpu.VMEM((K, H), jnp.float32),
            pltpu.VMEM_SHARED((R_PAD, H), jnp.float32),
        ],
    )
    def deg_kernel(dst_hbm, out_hbm, dst_v, zbuf, ones_v, acc):
        c = lax.axis_index("c")
        s = lax.axis_index("s")
        wid = s * NC + c
        pltpu.sync_copy(dst_hbm.at[wid], dst_v)

        ovec = jnp.full((LANES,), 1.0, jnp.float32)

        def fill(i, carry):
            ones_v[i, :] = ovec
            return carry

        lax.fori_loop(0, K, fill, 0)

        _zero_fill(zbuf, ROWS_TILE)
        pltpu.sync_copy(zbuf, acc.at[pl.ds(s * ROWS_TILE, ROWS_TILE)])
        plsc.subcore_barrier()

        def body(j, carry):
            pltpu.sync_copy(ones_v, acc.at[dst_v.at[j]], add=True)
            return carry

        lax.fori_loop(0, n_chunks, body, 0)
        plsc.subcore_barrier()

        pltpu.sync_copy(acc.at[pl.ds(s * ROWS_TILE, ROWS_TILE)], zbuf)
        pltpu.sync_copy(zbuf, out_hbm.at[c, pl.ds(s * ROWS_TILE, ROWS_TILE)])

    return deg_kernel


def _make_agg_kernel(n_chunks):
    n_grp = n_chunks // GRP

    @functools.partial(
        pl.kernel,
        mesh=_mesh(),
        out_type=jax.ShapeDtypeStruct((NC, R_PAD, H), jnp.float32),
        compiler_params=pltpu.CompilerParams(use_tc_tiling_on_sc=False),
        scratch_types=[
            pltpu.VMEM((n_chunks, K), jnp.int32),
            pltpu.VMEM((n_chunks, K), jnp.int32),
            pltpu.VMEM((ROWS_TILE, H), jnp.float32),
            pltpu.VMEM((K, H), jnp.float32),
            pltpu.VMEM((K, H), jnp.float32),
            pltpu.VMEM((K, H), jnp.float32),
            pltpu.VMEM((K, H), jnp.float32),
            pltpu.VMEM((K, H), jnp.float32),
            pltpu.VMEM_SHARED((R_PAD, H), jnp.float32),
            pltpu.SemaphoreType.DMA,
        ],
    )
    def agg_kernel(t_hbm, src_hbm, dst_hbm, out_hbm,
                   src_v, dst_v, zbuf, b0, b1, b2, b3, b4, acc, sem):
        bufs = (b0, b1, b2, b3, b4)
        c = lax.axis_index("c")
        s = lax.axis_index("s")
        wid = s * NC + c
        pltpu.sync_copy(src_hbm.at[wid], src_v)
        pltpu.sync_copy(dst_hbm.at[wid], dst_v)

        _zero_fill(zbuf, ROWS_TILE)
        pltpu.sync_copy(zbuf, acc.at[pl.ds(s * ROWS_TILE, ROWS_TILE)])
        plsc.subcore_barrier()

        def body(g, carry):
            base = g * GRP
            handles = []
            for b in range(GRP):
                handles.append(
                    pltpu.async_copy(t_hbm.at[src_v.at[base + b]], bufs[b], sem))
            for b in range(GRP):
                handles[b].wait()
            for b in range(GRP):
                pltpu.sync_copy(bufs[b], acc.at[dst_v.at[base + b]], add=True)
            return carry

        lax.fori_loop(0, n_grp, body, 0)
        plsc.subcore_barrier()

        pltpu.sync_copy(acc.at[pl.ds(s * ROWS_TILE, ROWS_TILE)], zbuf)
        pltpu.sync_copy(zbuf, out_hbm.at[c, pl.ds(s * ROWS_TILE, ROWS_TILE)])

    return agg_kernel



_BLK = 1000


def _tc1_body(degp, x, w1, t1_out, dinv_out):
    deg = degp[0] + degp[1] + 1.0
    dinv = lax.rsqrt(deg)
    hw = jnp.dot(x[...], w1[...], preferred_element_type=jnp.float32)
    t1_out[...] = hw * dinv
    dinv_out[...] = dinv


def _tc2_body(s1, t1, dinv, b1, t2_out):
    agg = (s1[0] + s1[1] + t1[...]) * dinv[...] + b1[...]
    h = jnp.maximum(agg, 0.0)
    t2_out[...] = h * dinv[...]


def _tc3_body(s2, t2, dinv, w2, b2, out):
    agg = (s2[0] + s2[1] + t2[...]) * dinv[...]
    z = jnp.dot(agg, w2[...], preferred_element_type=jnp.float32) + b2[...]
    m = jnp.max(z, axis=1, keepdims=True)
    e = jnp.exp(z - m)
    lse = jnp.log(jnp.sum(e, axis=1, keepdims=True))
    out[...] = z - m - lse


def _stacked_spec():
    return pl.BlockSpec((NC, _BLK, H), lambda i: (0, i, 0))


def _rows_spec(w):
    return pl.BlockSpec((_BLK, w), lambda i: (i, 0))


def _full_spec(shape):
    return pl.BlockSpec(shape, lambda i: tuple(0 for _ in shape))


def _tc1(degp, x, w1):
    return pl.pallas_call(
        _tc1_body,
        grid=(N // _BLK,),
        in_specs=[_stacked_spec(), _rows_spec(128), _full_spec((128, H))],
        out_specs=[_rows_spec(H), _rows_spec(H)],
        out_shape=[jax.ShapeDtypeStruct((N, H), jnp.float32),
                   jax.ShapeDtypeStruct((N, H), jnp.float32)],
    )(degp, x, w1)


def _tc2(s1, t1, dinv, b1r):
    return pl.pallas_call(
        _tc2_body,
        grid=(N // _BLK,),
        in_specs=[_stacked_spec(), _rows_spec(H), _rows_spec(H),
                  _full_spec((1, H))],
        out_specs=_rows_spec(H),
        out_shape=jax.ShapeDtypeStruct((N, H), jnp.float32),
    )(s1, t1, dinv, b1r)


def _tc3(s2, t2, dinv, w2, b2r, n_cls):
    return pl.pallas_call(
        _tc3_body,
        grid=(N // _BLK,),
        in_specs=[_stacked_spec(), _rows_spec(H), _rows_spec(H),
                  _full_spec((H, n_cls)), _full_spec((1, n_cls))],
        out_specs=_rows_spec(n_cls),
        out_shape=jax.ShapeDtypeStruct((N, n_cls), jnp.float32),
    )(s2, t2, dinv, w2, b2r)


def kernel(x, edge_index, W1, b1, W2, b2):
    n_edges = edge_index.shape[1]
    per_worker = n_edges // NW
    n_chunks = per_worker // K

    src3 = edge_index[0].reshape(NW, n_chunks, K)
    dst3 = edge_index[1].reshape(NW, n_chunks, K)

    deg_k = _make_deg_kernel(n_chunks)
    agg_k = _make_agg_kernel(n_chunks)

    degp = deg_k(dst3)
    degp = degp[:, :N, :]

    t1, dinv = _tc1(degp, x, W1)

    s1 = agg_k(t1, src3, dst3)[:, :N, :]
    t2 = _tc2(s1, t1, dinv, b1.reshape(1, H))

    s2 = agg_k(t2, src3, dst3)[:, :N, :]
    n_cls = W2.shape[1]
    out = _tc3(s2, t2, dinv, W2, b2.reshape(1, n_cls), n_cls)
    return out

# --- scband reference (transcript-rebuilt; emitter-appended) ---
"""Pipeline reference for scband-gcn-154618823344 (READ-ONLY COPY).

The authoritative reference and input builder live on the scoring server;
editing this copy changes nothing except your own understanding.
"""

import jax, jax.numpy as jnp
import numpy as np

N = 10000
D = 128
H = 16
C = 47
E = 320000


def setup_inputs(seed: int = 0) -> dict:
    key = jax.random.key(seed)
    k1, k2, k3, k4 = jax.random.split(key, 4)
    x = jax.random.normal(k1, (N, D), dtype=jnp.float32)
    edge_index = jax.random.randint(k2, (2, E), 0, N, dtype=jnp.int32)
    W1 = jax.random.normal(k3, (D, H), dtype=jnp.float32) * 0.05
    b1 = jnp.zeros((H,), dtype=jnp.float32)
    W2 = jax.random.normal(k4, (H, C), dtype=jnp.float32) * 0.05
    b2 = jnp.zeros((C,), dtype=jnp.float32)
    return {"x": x, "edge_index": edge_index, "W1": W1, "b1": b1, "W2": W2, "b2": b2}


def reference(x, edge_index, W1, b1, W2, b2):
    # GCNConv: add self-loops, symmetric normalization D^-1/2 (A+I) D^-1/2 X W + b
    loop = jnp.arange(N, dtype=edge_index.dtype)
    src = jnp.concatenate([edge_index[0], loop])
    dst = jnp.concatenate([edge_index[1], loop])
    deg = jnp.zeros((N,), jnp.float32).at[dst].add(1.0)
    dinv = jnp.where(deg > 0, 1.0 / jnp.sqrt(deg), 0.0)
    norm = dinv[src] * dinv[dst]

    def gcn_conv(h, W, b):
        hw = h @ W
        msg = hw[src] * norm[:, None]          # gather (SparseCore-mappable)
        agg = jnp.zeros((N, W.shape[1]), jnp.float32).at[dst].add(msg)  # scatter-add
        return agg + b

    h = gcn_conv(x, W1, b1)
    h = jax.nn.relu(h)
    # F.dropout(training=False) -> identity at inference
    out = gcn_conv(h, W2, b2)
    return jax.nn.log_softmax(out, axis=1)

if __name__ == "__main__":
    import jax
    _d = setup_inputs()
    print(jax.jit(kernel)(*tuple(_d.values())))

</pallas_src>

<mosaic_0001>
#map = affine_map<(d0, d1) -> (0, 0)>
#map1 = affine_map<(d0, d1) -> (0, 0, 0)>
module attributes {stable_mosaic.version = 14 : i64} {
  func.func @agg_kernel(%arg0: i32, %arg1: i32, %arg2: memref<10000x16xf32, #tpu.memory_space<hbm>>, %arg3: memref<32x125x80xi32, #tpu.memory_space<hbm>>, %arg4: memref<32x125x80xi32, #tpu.memory_space<hbm>>, %arg5: memref<2x10112x16xf32, #tpu.memory_space<hbm>>, %arg6: memref<125x80xi32, #tpu.memory_space<vmem>>, %arg7: memref<125x80xi32, #tpu.memory_space<vmem>>, %arg8: memref<632x16xf32, #tpu.memory_space<vmem>>, %arg9: memref<80x16xf32, #tpu.memory_space<vmem>>, %arg10: memref<80x16xf32, #tpu.memory_space<vmem>>, %arg11: memref<80x16xf32, #tpu.memory_space<vmem>>, %arg12: memref<80x16xf32, #tpu.memory_space<vmem>>, %arg13: memref<80x16xf32, #tpu.memory_space<vmem>>, %arg14: memref<10112x16xf32, #tpu.memory_space<vmem_shared>>, %arg15: memref<!tpu.dma_semaphore, #tpu.memory_space<semaphore_mem>>) attributes {dimension_semantics = [#tpu.dimension_semantics<core_parallel>, #tpu.dimension_semantics<subcore_parallel>], iteration_bounds = array<i64: 2, 16>, scalar_prefetch = 0 : i64, scratch_operands = 10 : i64, tpu.core_type = #tpu.core_type<sc_vector_subcore>, window_params = [{transform_indices = #map}, {transform_indices = #map1}, {transform_indices = #map1}, {transform_indices = #map1}]} {
    %mul3A = arith.constant 2 : i32
    %mul3A_0 = arith.muli %arg1, %mul3A : i32
    %add3A = arith.addi %mul3A_0, %arg0 : i32
    "tpu.region"() ({
      %run_scoped3A = tpu.sem_alloc : memref<!tpu.dma_semaphore, #tpu.memory_space<semaphore_mem>>
      %dma_start3A = arith.constant 0 : i32
      %dma_start3A_20 = arith.constant 0 : i32
      %dma_start3A_21 = tpu.memref_slice %arg3[%add3A, %dma_start3A, %dma_start3A_20] : memref<32x125x80xi32, #tpu.memory_space<hbm>> -> memref<1x125x80xi32, #tpu.memory_space<hbm>>
      %dma_start3A_22 = tpu.memref_squeeze %dma_start3A_21 : memref<1x125x80xi32, #tpu.memory_space<hbm>> -> memref<125x80xi32, #tpu.memory_space<hbm>>
      %dma_start3A_23 = arith.constant 0 : i32
      %dma_start3A_24 = arith.constant 0 : i32
      %dma_start3A_25 = tpu.memref_slice %arg3[%add3A, %dma_start3A_23, %dma_start3A_24] : memref<32x125x80xi32, #tpu.memory_space<hbm>> -> memref<1x125x80xi32, #tpu.memory_space<hbm>>
      %dma_start3A_26 = tpu.memref_squeeze %dma_start3A_25 : memref<1x125x80xi32, #tpu.memory_space<hbm>> -> memref<125x80xi32, #tpu.memory_space<hbm>>
      tpu.enqueue_dma source(%dma_start3A_26 : memref<125x80xi32, #tpu.memory_space<hbm>>) target(%arg6 : memref<125x80xi32, #tpu.memory_space<vmem>>) target_semaphore(%run_scoped3A : memref<!tpu.dma_semaphore, #tpu.memory_space<semaphore_mem>>)
      %dma_wait3A = arith.constant 0 : i32
      %dma_wait3A_27 = arith.constant 0 : i32
      %dma_wait3A_28 = tpu.memref_slice %arg3[%add3A, %dma_wait3A, %dma_wait3A_27] : memref<32x125x80xi32, #tpu.memory_space<hbm>> -> memref<1x125x80xi32, #tpu.memory_space<hbm>>
      %dma_wait3A_29 = tpu.memref_squeeze %dma_wait3A_28 : memref<1x125x80xi32, #tpu.memory_space<hbm>> -> memref<125x80xi32, #tpu.memory_space<hbm>>
      %dma_wait3A_30 = arith.constant 0 : i32
      %dma_wait3A_31 = arith.constant 0 : i32
      %dma_wait3A_32 = tpu.memref_slice %arg3[%add3A, %dma_wait3A_30, %dma_wait3A_31] : memref<32x125x80xi32, #tpu.memory_space<hbm>> -> memref<1x125x80xi32, #tpu.memory_space<hbm>>
      %dma_wait3A_33 = tpu.memref_squeeze %dma_wait3A_32 : memref<1x125x80xi32, #tpu.memory_space<hbm>> -> memref<125x80xi32, #tpu.memory_space<hbm>>
      tpu.wait_dma2 semaphore(%run_scoped3A : memref<!tpu.dma_semaphore, #tpu.memory_space<semaphore_mem>>) src(%dma_wait3A_33 : memref<125x80xi32, #tpu.memory_space<hbm>>) dst(%arg6 : memref<125x80xi32, #tpu.memory_space<vmem>>)
      tpu.yield
    }) : () -> ()
    "tpu.region"() ({
      %run_scoped3A = tpu.sem_alloc : memref<!tpu.dma_semaphore, #tpu.memory_space<semaphore_mem>>
      %dma_start3A = arith.constant 0 : i32
      %dma_start3A_20 = arith.constant 0 : i32
      %dma_start3A_21 = tpu.memref_slice %arg4[%add3A, %dma_start3A, %dma_start3A_20] : memref<32x125x80xi32, #tpu.memory_space<hbm>> -> memref<1x125x80xi32, #tpu.memory_space<hbm>>
      %dma_start3A_22 = tpu.memref_squeeze %dma_start3A_21 : memref<1x125x80xi32, #tpu.memory_space<hbm>> -> memref<125x80xi32, #tpu.memory_space<hbm>>
      %dma_start3A_23 = arith.constant 0 : i32
      %dma_start3A_24 = arith.constant 0 : i32
      %dma_start3A_25 = tpu.memref_slice %arg4[%add3A, %dma_start3A_23, %dma_start3A_24] : memref<32x125x80xi32, #tpu.memory_space<hbm>> -> memref<1x125x80xi32, #tpu.memory_space<hbm>>
      %dma_start3A_26 = tpu.memref_squeeze %dma_start3A_25 : memref<1x125x80xi32, #tpu.memory_space<hbm>> -> memref<125x80xi32, #tpu.memory_space<hbm>>
      tpu.enqueue_dma source(%dma_start3A_26 : memref<125x80xi32, #tpu.memory_space<hbm>>) target(%arg7 : memref<125x80xi32, #tpu.memory_space<vmem>>) target_semaphore(%run_scoped3A : memref<!tpu.dma_semaphore, #tpu.memory_space<semaphore_mem>>)
      %dma_wait3A = arith.constant 0 : i32
      %dma_wait3A_27 = arith.constant 0 : i32
      %dma_wait3A_28 = tpu.memref_slice %arg4[%add3A, %dma_wait3A, %dma_wait3A_27] : memref<32x125x80xi32, #tpu.memory_space<hbm>> -> memref<1x125x80xi32, #tpu.memory_space<hbm>>
      %dma_wait3A_29 = tpu.memref_squeeze %dma_wait3A_28 : memref<1x125x80xi32, #tpu.memory_space<hbm>> -> memref<125x80xi32, #tpu.memory_space<hbm>>
      %dma_wait3A_30 = arith.constant 0 : i32
      %dma_wait3A_31 = arith.constant 0 : i32
      %dma_wait3A_32 = tpu.memref_slice %arg4[%add3A, %dma_wait3A_30, %dma_wait3A_31] : memref<32x125x80xi32, #tpu.memory_space<hbm>> -> memref<1x125x80xi32, #tpu.memory_space<hbm>>
      %dma_wait3A_33 = tpu.memref_squeeze %dma_wait3A_32 : memref<1x125x80xi32, #tpu.memory_space<hbm>> -> memref<125x80xi32, #tpu.memory_space<hbm>>
      tpu.wait_dma2 semaphore(%run_scoped3A : memref<!tpu.dma_semaphore, #tpu.memory_space<semaphore_mem>>) src(%dma_wait3A_33 : memref<125x80xi32, #tpu.memory_space<hbm>>) dst(%arg7 : memref<125x80xi32, #tpu.memory_space<vmem>>)
      tpu.yield
    }) : () -> ()
    %broadcast_in_dim3A = arith.constant 0.000000e+00 : f32
    %broadcast_in_dim3A_1 = vector.broadcast %broadcast_in_dim3A : f32 to vector<16xf32>
    %scan3A = arith.constant 0 : i32
    %scan3A_2 = arith.constant 0 : i32
    %scan3A_3 = arith.constant 632 : i32
    %scan3A_4 = arith.addi %scan3A_2, %scan3A_3 : i32
    %scan3A_5 = arith.constant 1 : i32
    scf.for %scan3A_20 = %scan3A_2 to %scan3A_4 step %scan3A_5  : i32 {
      %swap3A = arith.index_cast %scan3A_20 : i32 to index
      %swap3A_21 = arith.constant 0 : index
      %swap3A_22 = tpu.vector_load %arg8[%swap3A, %swap3A_21] {strides = array<i32>} : memref<632x16xf32, #tpu.memory_space<vmem>>, vector<1x16xf32>,
      %swap3A_23 = vector.shape_cast %swap3A_22 : vector<1x16xf32> to vector<16xf32>
      %swap3A_24 = vector.shape_cast %broadcast_in_dim3A_1 : vector<16xf32> to vector<1x16xf32>
      tpu.vector_store %arg8[%swap3A, %swap3A_21], %swap3A_24 {strides = array<i32>} : memref<632x16xf32, #tpu.memory_space<vmem>>, vector<1x16xf32>,
    }
    %scan3A_6 = arith.constant 632 : i32
    %mul3A_7 = arith.constant 632 : i32
    %mul3A_8 = arith.muli %arg1, %mul3A_7 : i32
    "tpu.region"() ({
      %run_scoped3A = tpu.sem_alloc : memref<!tpu.dma_semaphore, #tpu.memory_space<semaphore_mem>>
      %dma_start3A = arith.constant 0 : i32
      %dma_start3A_20 = tpu.memref_slice %arg14[%mul3A_8, %dma_start3A] : memref<10112x16xf32, #tpu.memory_space<vmem_shared>> -> memref<632x16xf32, #tpu.memory_space<vmem_shared>>
      %dma_start3A_21 = arith.constant 0 : i32
      %dma_start3A_22 = tpu.memref_slice %arg14[%mul3A_8, %dma_start3A_21] : memref<10112x16xf32, #tpu.memory_space<vmem_shared>> -> memref<632x16xf32, #tpu.memory_space<vmem_shared>>
      tpu.enqueue_dma source(%arg8 : memref<632x16xf32, #tpu.memory_space<vmem>>) target(%dma_start3A_22 : memref<632x16xf32, #tpu.memory_space<vmem_shared>>) target_semaphore(%run_scoped3A : memref<!tpu.dma_semaphore, #tpu.memory_space<semaphore_mem>>)
      %dma_wait3A = arith.constant 0 : i32
      %dma_wait3A_23 = tpu.memref_slice %arg14[%mul3A_8, %dma_wait3A] : memref<10112x16xf32, #tpu.memory_space<vmem_shared>> -> memref<632x16xf32, #tpu.memory_space<vmem_shared>>
      %dma_wait3A_24 = arith.constant 0 : i32
      %dma_wait3A_25 = tpu.memref_slice %arg14[%mul3A_8, %dma_wait3A_24] : memref<10112x16xf32, #tpu.memory_space<vmem_shared>> -> memref<632x16xf32, #tpu.memory_space<vmem_shared>>
      tpu.wait_dma2 semaphore(%run_scoped3A : memref<!tpu.dma_semaphore, #tpu.memory_space<semaphore_mem>>) src(%arg8 : memref<632x16xf32, #tpu.memory_space<vmem>>) dst(%dma_wait3A_25 : memref<632x16xf32, #tpu.memory_space<vmem_shared>>)
      tpu.yield
    }) : () -> ()
    %barrier3A = arith.constant 0 : index
    tpu.barrier barrier_id(%barrier3A)
    %scan3A_9 = arith.constant 0 : i32
    %scan3A_10 = arith.constant 0 : i32
    %scan3A_11 = arith.constant 25 : i32
    %scan3A_12 = arith.addi %scan3A_10, %scan3A_11 : i32
    %scan3A_13 = arith.constant 1 : i32
    scf.for %scan3A_20 = %scan3A_10 to %scan3A_12 step %scan3A_13  : i32 {
      %mul3A_21 = arith.constant 5 : i32
      %mul3A_22 = arith.muli %scan3A_20, %mul3A_21 : i32
      %add3A_23 = arith.constant 0 : i32
      %add3A_24 = arith.addi %mul3A_22, %add3A_23 : i32
      %dma_start3A = arith.constant 0 : i32
      %dma_start3A_25 = tpu.memref_slice %arg6[%add3A_24, %dma_start3A] : memref<125x80xi32, #tpu.memory_space<vmem>> -> memref<1x80xi32, #tpu.memory_space<vmem>>
      %dma_start3A_26 = tpu.memref_squeeze %dma_start3A_25 : memref<1x80xi32, #tpu.memory_space<vmem>> -> memref<80xi32, #tpu.memory_space<vmem>>
      %dma_start3A_27 = arith.constant 0 : i32
      %dma_start3A_28 = arith.constant 0 : i32
      %dma_start3A_29 = tpu.memref_slice %arg2[%dma_start3A_27, %dma_start3A_28] : memref<10000x16xf32, #tpu.memory_space<hbm>> -> memref<10000x16xf32, #tpu.memory_space<hbm>>
      tpu.enqueue_indirect_dma source(%dma_start3A_29 : memref<10000x16xf32, #tpu.memory_space<hbm>>) target(%arg9 : memref<80x16xf32, #tpu.memory_space<vmem>>) offsets(%dma_start3A_26 : memref<80xi32, #tpu.memory_space<vmem>>) semaphore(%arg15 : memref<!tpu.dma_semaphore, #tpu.memory_space<semaphore_mem>>)
      %add3A_30 = arith.constant 1 : i32
      %add3A_31 = arith.addi %mul3A_22, %add3A_30 : i32
      %dma_start3A_32 = arith.constant 0 : i32
      %dma_start3A_33 = tpu.memref_slice %arg6[%add3A_31, %dma_start3A_32] : memref<125x80xi32, #tpu.memory_space<vmem>> -> memref<1x80xi32, #tpu.memory_space<vmem>>
      %dma_start3A_34 = tpu.memref_squeeze %dma_start3A_33 : memref<1x80xi32, #tpu.memory_space<vmem>> -> memref<80xi32, #tpu.memory_space<vmem>>
      %dma_start3A_35 = arith.constant 0 : i32
      %dma_start3A_36 = arith.constant 0 : i32
      %dma_start3A_37 = tpu.memref_slice %arg2[%dma_start3A_35, %dma_start3A_36] : memref<10000x16xf32, #tpu.memory_space<hbm>> -> memref<10000x16xf32, #tpu.memory_space<hbm>>
      tpu.enqueue_indirect_dma source(%dma_start3A_37 : memref<10000x16xf32, #tpu.memory_space<hbm>>) target(%arg10 : memref<80x16xf32, #tpu.memory_space<vmem>>) offsets(%dma_start3A_34 : memref<80xi32, #tpu.memory_space<vmem>>) semaphore(%arg15 : memref<!tpu.dma_semaphore, #tpu.memory_space<semaphore_mem>>)
      %add3A_38 = arith.constant 2 : i32
      %add3A_39 = arith.addi %mul3A_22, %add3A_38 : i32
      %dma_start3A_40 = arith.constant 0 : i32
      %dma_start3A_41 = tpu.memref_slice %arg6[%add3A_39, %dma_start3A_40] : memref<125x80xi32, #tpu.memory_space<vmem>> -> memref<1x80xi32, #tpu.memory_space<vmem>>
      %dma_start3A_42 = tpu.memref_squeeze %dma_start3A_41 : memref<1x80xi32, #tpu.memory_space<vmem>> -> memref<80xi32, #tpu.memory_space<vmem>>
      %dma_start3A_43 = arith.constant 0 : i32
      %dma_start3A_44 = arith.constant 0 : i32
      %dma_start3A_45 = tpu.memref_slice %arg2[%dma_start3A_43, %dma_start3A_44] : memref<10000x16xf32, #tpu.memory_space<hbm>> -> memref<10000x16xf32, #tpu.memory_space<hbm>>
      tpu.enqueue_indirect_dma source(%dma_start3A_45 : memref<10000x16xf32, #tpu.memory_space<hbm>>) target(%arg11 : memref<80x16xf32, #tpu.memory_space<vmem>>) offsets(%dma_start3A_42 : memref<80xi32, #tpu.memory_space<vmem>>) semaphore(%arg15 : memref<!tpu.dma_semaphore, #tpu.memory_space<semaphore_mem>>)
      %add3A_46 = arith.constant 3 : i32
      %add3A_47 = arith.addi %mul3A_22, %add3A_46 : i32
      %dma_start3A_48 = arith.constant 0 : i32
      %dma_start3A_49 = tpu.memref_slice %arg6[%add3A_47, %dma_start3A_48] : memref<125x80xi32, #tpu.memory_space<vmem>> -> memref<1x80xi32, #tpu.memory_space<vmem>>
      %dma_start3A_50 = tpu.memref_squeeze %dma_start3A_49 : memref<1x80xi32, #tpu.memory_space<vmem>> -> memref<80xi32, #tpu.memory_space<vmem>>
      %dma_start3A_51 = arith.constant 0 : i32
      %dma_start3A_52 = arith.constant 0 : i32
      %dma_start3A_53 = tpu.memref_slice %arg2[%dma_start3A_51, %dma_start3A_52] : memref<10000x16xf32, #tpu.memory_space<hbm>> -> memref<10000x16xf32, #tpu.memory_space<hbm>>
      tpu.enqueue_indirect_dma source(%dma_start3A_53 : memref<10000x16xf32, #tpu.memory_space<hbm>>) target(%arg12 : memref<80x16xf32, #tpu.memory_space<vmem>>) offsets(%dma_start3A_50 : memref<80xi32, #tpu.memory_space<vmem>>) semaphore(%arg15 : memref<!tpu.dma_semaphore, #tpu.memory_space<semaphore_mem>>)
      %add3A_54 = arith.constant 4 : i32
      %add3A_55 = arith.addi %mul3A_22, %add3A_54 : i32
      %dma_start3A_56 = arith.constant 0 : i32
      %dma_start3A_57 = tpu.memref_slice %arg6[%add3A_55, %dma_start3A_56] : memref<125x80xi32, #tpu.memory_space<vmem>> -> memref<1x80xi32, #tpu.memory_space<vmem>>
      %dma_start3A_58 = tpu.memref_squeeze %dma_start3A_57 : memref<1x80xi32, #tpu.memory_space<vmem>> -> memref<80xi32, #tpu.memory_space<vmem>>
      %dma_start3A_59 = arith.constant 0 : i32
      %dma_start3A_60 = arith.constant 0 : i32
      %dma_start3A_61 = tpu.memref_slice %arg2[%dma_start3A_59, %dma_start3A_60] : memref<10000x16xf32, #tpu.memory_space<hbm>> -> memref<10000x16xf32, #tpu.memory_space<hbm>>
      tpu.enqueue_indirect_dma source(%dma_start3A_61 : memref<10000x16xf32, #tpu.memory_space<hbm>>) target(%arg13 : memref<80x16xf32, #tpu.memory_space<vmem>>) offsets(%dma_start3A_58 : memref<80xi32, #tpu.memory_space<vmem>>) semaphore(%arg15 : memref<!tpu.dma_semaphore, #tpu.memory_space<semaphore_mem>>)
      %dma_wait3A = arith.constant 0 : i32
      %dma_wait3A_62 = tpu.memref_slice %arg6[%add3A_24, %dma_wait3A] : memref<125x80xi32, #tpu.memory_space<vmem>> -> memref<1x80xi32, #tpu.memory_space<vmem>>
      %dma_wait3A_63 = tpu.memref_squeeze %dma_wait3A_62 : memref<1x80xi32, #tpu.memory_space<vmem>> -> memref<80xi32, #tpu.memory_space<vmem>>
      %dma_wait3A_64 = arith.constant 0 : i32
      %dma_wait3A_65 = arith.constant 0 : i32
      %dma_wait3A_66 = tpu.memref_slice %arg2[%dma_wait3A_64, %dma_wait3A_65] : memref<10000x16xf32, #tpu.memory_space<hbm>> -> memref<10000x16xf32, #tpu.memory_space<hbm>>
      tpu.wait_indirect_dma semaphore(%arg15 : memref<!tpu.dma_semaphore, #tpu.memory_space<semaphore_mem>>) src(%dma_wait3A_66 : memref<10000x16xf32, #tpu.memory_space<hbm>>) dst(%arg9 : memref<80x16xf32, #tpu.memory_space<vmem>>)
      %dma_wait3A_67 = arith.constant 0 : i32
      %dma_wait3A_68 = tpu.memref_slice %arg6[%add3A_31, %dma_wait3A_67] : memref<125x80xi32, #tpu.memory_space<vmem>> -> memref<1x80xi32, #tpu.memory_space<vmem>>
      %dma_wait3A_69 = tpu.memref_squeeze %dma_wait3A_68 : memref<1x80xi32, #tpu.memory_space<vmem>> -> memref<80xi32, #tpu.memory_space<vmem>>
      %dma_wait3A_70 = arith.constant 0 : i32
      %dma_wait3A_71 = arith.constant 0 : i32
      %dma_wait3A_72 = tpu.memref_slice %arg2[%dma_wait3A_70, %dma_wait3A_71] : memref<10000x16xf32, #tpu.memory_space<hbm>> -> memref<10000x16xf32, #tpu.memory_space<hbm>>
      tpu.wait_indirect_dma semaphore(%arg15 : memref<!tpu.dma_semaphore, #tpu.memory_space<semaphore_mem>>) src(%dma_wait3A_72 : memref<10000x16xf32, #tpu.memory_space<hbm>>) dst(%arg10 : memref<80x16xf32, #tpu.memory_space<vmem>>)
      %dma_wait3A_73 = arith.constant 0 : i32
      %dma_wait3A_74 = tpu.memref_slice %arg6[%add3A_39, %dma_wait3A_73] : memref<125x80xi32, #tpu.memory_space<vmem>> -> memref<1x80xi32, #tpu.memory_space<vmem>>
      %dma_wait3A_75 = tpu.memref_squeeze %dma_wait3A_74 : memref<1x80xi32, #tpu.memory_space<vmem>> -> memref<80xi32, #tpu.memory_space<vmem>>
      %dma_wait3A_76 = arith.constant 0 : i32
      %dma_wait3A_77 = arith.constant 0 : i32
      %dma_wait3A_78 = tpu.memref_slice %arg2[%dma_wait3A_76, %dma_wait3A_77] : memref<10000x16xf32, #tpu.memory_space<hbm>> -> memref<10000x16xf32, #tpu.memory_space<hbm>>
      tpu.wait_indirect_dma semaphore(%arg15 : memref<!tpu.dma_semaphore, #tpu.memory_space<semaphore_mem>>) src(%dma_wait3A_78 : memref<10000x16xf32, #tpu.memory_space<hbm>>) dst(%arg11 : memref<80x16xf32, #tpu.memory_space<vmem>>)
      %dma_wait3A_79 = arith.constant 0 : i32
      %dma_wait3A_80 = tpu.memref_slice %arg6[%add3A_47, %dma_wait3A_79] : memref<125x80xi32, #tpu.memory_space<vmem>> -> memref<1x80xi32, #tpu.memory_space<vmem>>
      %dma_wait3A_81 = tpu.memref_squeeze %dma_wait3A_80 : memref<1x80xi32, #tpu.memory_space<vmem>> -> memref<80xi32, #tpu.memory_space<vmem>>
      %dma_wait3A_82 = arith.constant 0 : i32
      %dma_wait3A_83 = arith.constant 0 : i32
      %dma_wait3A_84 = tpu.memref_slice %arg2[%dma_wait3A_82, %dma_wait3A_83] : memref<10000x16xf32, #tpu.memory_space<hbm>> -> memref<10000x16xf32, #tpu.memory_space<hbm>>
      tpu.wait_indirect_dma semaphore(%arg15 : memref<!tpu.dma_semaphore, #tpu.memory_space<semaphore_mem>>) src(%dma_wait3A_84 : memref<10000x16xf32, #tpu.memory_space<hbm>>) dst(%arg12 : memref<80x16xf32, #tpu.memory_space<vmem>>)
      %dma_wait3A_85 = arith.constant 0 : i32
      %dma_wait3A_86 = tpu.memref_slice %arg6[%add3A_55, %dma_wait3A_85] : memref<125x80xi32, #tpu.memory_space<vmem>> -> memref<1x80xi32, #tpu.memory_space<vmem>>
      %dma_wait3A_87 = tpu.memref_squeeze %dma_wait3A_86 : memref<1x80xi32, #tpu.memory_space<vmem>> -> memref<80xi32, #tpu.memory_space<vmem>>
      %dma_wait3A_88 = arith.constant 0 : i32
      %dma_wait3A_89 = arith.constant 0 : i32
      %dma_wait3A_90 = tpu.memref_slice %arg2[%dma_wait3A_88, %dma_wait3A_89] : memref<10000x16xf32, #tpu.memory_space<hbm>> -> memref<10000x16xf32, #tpu.memory_space<hbm>>
      tpu.wait_indirect_dma semaphore(%arg15 : memref<!tpu.dma_semaphore, #tpu.memory_space<semaphore_mem>>) src(%dma_wait3A_90 : memref<10000x16xf32, #tpu.memory_space<hbm>>) dst(%arg13 : memref<80x16xf32, #tpu.memory_space<vmem>>)
      %add3A_91 = arith.constant 0 : i32
      %add3A_92 = arith.addi %mul3A_22, %add3A_91 : i32
      "tpu.region"() ({
        %run_scoped3A = tpu.sem_alloc : memref<!tpu.dma_semaphore, #tpu.memory_space<semaphore_mem>>
        %dma_start3A_101 = arith.constant 0 : i32
        %dma_start3A_102 = tpu.memref_slice %arg7[%add3A_92, %dma_start3A_101] : memref<125x80xi32, #tpu.memory_space<vmem>> -> memref<1x80xi32, #tpu.memory_space<vmem>>
        %dma_start3A_103 = tpu.memref_squeeze %dma_start3A_102 : memref<1x80xi32, #tpu.memory_space<vmem>> -> memref<80xi32, #tpu.memory_space<vmem>>
        %dma_start3A_104 = arith.constant 0 : i32
        %dma_start3A_105 = arith.constant 0 : i32
        %dma_start3A_106 = tpu.memref_slice %arg14[%dma_start3A_104, %dma_start3A_105] : memref<10112x16xf32, #tpu.memory_space<vmem_shared>> -> memref<10112x16xf32, #tpu.memory_space<vmem_shared>>
        tpu.enqueue_indirect_dma source(%arg9 : memref<80x16xf32, #tpu.memory_space<vmem>>) target(%dma_start3A_106 : memref<10112x16xf32, #tpu.memory_space<vmem_shared>>) offsets(%dma_start3A_103 : memref<80xi32, #tpu.memory_space<vmem>>) semaphore(%run_scoped3A : memref<!tpu.dma_semaphore, #tpu.memory_space<semaphore_mem>>) {add = true}
        %dma_wait3A_107 = arith.constant 0 : i32
        %dma_wait3A_108 = tpu.memref_slice %arg7[%add3A_92, %dma_wait3A_107] : memref<125x80xi32, #tpu.memory_space<vmem>> -> memref<1x80xi32, #tpu.memory_space<vmem>>
        %dma_wait3A_109 = tpu.memref_squeeze %dma_wait3A_108 : memref<1x80xi32, #tpu.memory_space<vmem>> -> memref<80xi32, #tpu.memory_space<vmem>>
        %dma_wait3A_110 = arith.constant 0 : i32
        %dma_wait3A_111 = arith.constant 0 : i32
        %dma_wait3A_112 = tpu.memref_slice %arg14[%dma_wait3A_110, %dma_wait3A_111] : memref<10112x16xf32, #tpu.memory_space<vmem_shared>> -> memref<10112x16xf32, #tpu.memory_space<vmem_shared>>
        tpu.wait_indirect_dma semaphore(%run_scoped3A : memref<!tpu.dma_semaphore, #tpu.memory_space<semaphore_mem>>) src(%arg9 : memref<80x16xf32, #tpu.memory_space<vmem>>) dst(%dma_wait3A_112 : memref<10112x16xf32, #tpu.memory_space<vmem_shared>>)
        tpu.yield
      }) : () -> ()
      %add3A_93 = arith.constant 1 : i32
      %add3A_94 = arith.addi %mul3A_22, %add3A_93 : i32
      "tpu.region"() ({
        %run_scoped3A = tpu.sem_alloc : memref<!tpu.dma_semaphore, #tpu.memory_space<semaphore_mem>>
        %dma_start3A_101 = arith.constant 0 : i32
        %dma_start3A_102 = tpu.memref_slice %arg7[%add3A_94, %dma_start3A_101] : memref<125x80xi32, #tpu.memory_space<vmem>> -> memref<1x80xi32, #tpu.memory_space<vmem>>
        %dma_start3A_103 = tpu.memref_squeeze %dma_start3A_102 : memref<1x80xi32, #tpu.memory_space<vmem>> -> memref<80xi32, #tpu.memory_space<vmem>>
        %dma_start3A_104 = arith.constant 0 : i32
        %dma_start3A_105 = arith.constant 0 : i32
        %dma_start3A_106 = tpu.memref_slice %arg14[%dma_start3A_104, %dma_start3A_105] : memref<10112x16xf32, #tpu.memory_space<vmem_shared>> -> memref<10112x16xf32, #tpu.memory_space<vmem_shared>>
        tpu.enqueue_indirect_dma source(%arg10 : memref<80x16xf32, #tpu.memory_space<vmem>>) target(%dma_start3A_106 : memref<10112x16xf32, #tpu.memory_space<vmem_shared>>) offsets(%dma_start3A_103 : memref<80xi32, #tpu.memory_space<vmem>>) semaphore(%run_scoped3A : memref<!tpu.dma_semaphore, #tpu.memory_space<semaphore_mem>>) {add = true}
        %dma_wait3A_107 = arith.constant 0 : i32
        %dma_wait3A_108 = tpu.memref_slice %arg7[%add3A_94, %dma_wait3A_107] : memref<125x80xi32, #tpu.memory_space<vmem>> -> memref<1x80xi32, #tpu.memory_space<vmem>>
        %dma_wait3A_109 = tpu.memref_squeeze %dma_wait3A_108 : memref<1x80xi32, #tpu.memory_space<vmem>> -> memref<80xi32, #tpu.memory_space<vmem>>
        %dma_wait3A_110 = arith.constant 0 : i32
        %dma_wait3A_111 = arith.constant 0 : i32
        %dma_wait3A_112 = tpu.memref_slice %arg14[%dma_wait3A_110, %dma_wait3A_111] : memref<10112x16xf32, #tpu.memory_space<vmem_shared>> -> memref<10112x16xf32, #tpu.memory_space<vmem_shared>>
        tpu.wait_indirect_dma semaphore(%run_scoped3A : memref<!tpu.dma_semaphore, #tpu.memory_space<semaphore_mem>>) src(%arg10 : memref<80x16xf32, #tpu.memory_space<vmem>>) dst(%dma_wait3A_112 : memref<10112x16xf32, #tpu.memory_space<vmem_shared>>)
        tpu.yield
      }) : () -> ()
      %add3A_95 = arith.constant 2 : i32
      %add3A_96 = arith.addi %mul3A_22, %add3A_95 : i32
      "tpu.region"() ({
        %run_scoped3A = tpu.sem_alloc : memref<!tpu.dma_semaphore, #tpu.memory_space<semaphore_mem>>
        %dma_start3A_101 = arith.constant 0 : i32
        %dma_start3A_102 = tpu.memref_slice %arg7[%add3A_96, %dma_start3A_101] : memref<125x80xi32, #tpu.memory_space<vmem>> -> memref<1x80xi32, #tpu.memory_space<vmem>>
        %dma_start3A_103 = tpu.memref_squeeze %dma_start3A_102 : memref<1x80xi32, #tpu.memory_space<vmem>> -> memref<80xi32, #tpu.memory_space<vmem>>
        %dma_start3A_104 = arith.constant 0 : i32
        %dma_start3A_105 = arith.constant 0 : i32
        %dma_start3A_106 = tpu.memref_slice %arg14[%dma_start3A_104, %dma_start3A_105] : memref<10112x16xf32, #tpu.memory_space<vmem_shared>> -> memref<10112x16xf32, #tpu.memory_space<vmem_shared>>
        tpu.enqueue_indirect_dma source(%arg11 : memref<80x16xf32, #tpu.memory_space<vmem>>) target(%dma_start3A_106 : memref<10112x16xf32, #tpu.memory_space<vmem_shared>>) offsets(%dma_start3A_103 : memref<80xi32, #tpu.memory_space<vmem>>) semaphore(%run_scoped3A : memref<!tpu.dma_semaphore, #tpu.memory_space<semaphore_mem>>) {add = true}
        %dma_wait3A_107 = arith.constant 0 : i32
        %dma_wait3A_108 = tpu.memref_slice %arg7[%add3A_96, %dma_wait3A_107] : memref<125x80xi32, #tpu.memory_space<vmem>> -> memref<1x80xi32, #tpu.memory_space<vmem>>
        %dma_wait3A_109 = tpu.memref_squeeze %dma_wait3A_108 : memref<1x80xi32, #tpu.memory_space<vmem>> -> memref<80xi32, #tpu.memory_space<vmem>>
        %dma_wait3A_110 = arith.constant 0 : i32
        %dma_wait3A_111 = arith.constant 0 : i32
        %dma_wait3A_112 = tpu.memref_slice %arg14[%dma_wait3A_110, %dma_wait3A_111] : memref<10112x16xf32, #tpu.memory_space<vmem_shared>> -> memref<10112x16xf32, #tpu.memory_space<vmem_shared>>
        tpu.wait_indirect_dma semaphore(%run_scoped3A : memref<!tpu.dma_semaphore, #tpu.memory_space<semaphore_mem>>) src(%arg11 : memref<80x16xf32, #tpu.memory_space<vmem>>) dst(%dma_wait3A_112 : memref<10112x16xf32, #tpu.memory_space<vmem_shared>>)
        tpu.yield
      }) : () -> ()
      %add3A_97 = arith.constant 3 : i32
      %add3A_98 = arith.addi %mul3A_22, %add3A_97 : i32
      "tpu.region"() ({
        %run_scoped3A = tpu.sem_alloc : memref<!tpu.dma_semaphore, #tpu.memory_space<semaphore_mem>>
        %dma_start3A_101 = arith.constant 0 : i32
        %dma_start3A_102 = tpu.memref_slice %arg7[%add3A_98, %dma_start3A_101] : memref<125x80xi32, #tpu.memory_space<vmem>> -> memref<1x80xi32, #tpu.memory_space<vmem>>
        %dma_start3A_103 = tpu.memref_squeeze %dma_start3A_102 : memref<1x80xi32, #tpu.memory_space<vmem>> -> memref<80xi32, #tpu.memory_space<vmem>>
        %dma_start3A_104 = arith.constant 0 : i32
        %dma_start3A_105 = arith.constant 0 : i32
        %dma_start3A_106 = tpu.memref_slice %arg14[%dma_start3A_104, %dma_start3A_105] : memref<10112x16xf32, #tpu.memory_space<vmem_shared>> -> memref<10112x16xf32, #tpu.memory_space<vmem_shared>>
        tpu.enqueue_indirect_dma source(%arg12 : memref<80x16xf32, #tpu.memory_space<vmem>>) target(%dma_start3A_106 : memref<10112x16xf32, #tpu.memory_space<vmem_shared>>) offsets(%dma_start3A_103 : memref<80xi32, #tpu.memory_space<vmem>>) semaphore(%run_scoped3A : memref<!tpu.dma_semaphore, #tpu.memory_space<semaphore_mem>>) {add = true}
        %dma_wait3A_107 = arith.constant 0 : i32
        %dma_wait3A_108 = tpu.memref_slice %arg7[%add3A_98, %dma_wait3A_107] : memref<125x80xi32, #tpu.memory_space<vmem>> -> memref<1x80xi32, #tpu.memory_space<vmem>>
        %dma_wait3A_109 = tpu.memref_squeeze %dma_wait3A_108 : memref<1x80xi32, #tpu.memory_space<vmem>> -> memref<80xi32, #tpu.memory_space<vmem>>
        %dma_wait3A_110 = arith.constant 0 : i32
        %dma_wait3A_111 = arith.constant 0 : i32
        %dma_wait3A_112 = tpu.memref_slice %arg14[%dma_wait3A_110, %dma_wait3A_111] : memref<10112x16xf32, #tpu.memory_space<vmem_shared>> -> memref<10112x16xf32, #tpu.memory_space<vmem_shared>>
        tpu.wait_indirect_dma semaphore(%run_scoped3A : memref<!tpu.dma_semaphore, #tpu.memory_space<semaphore_mem>>) src(%arg12 : memref<80x16xf32, #tpu.memory_space<vmem>>) dst(%dma_wait3A_112 : memref<10112x16xf32, #tpu.memory_space<vmem_shared>>)
        tpu.yield
      }) : () -> ()
      %add3A_99 = arith.constant 4 : i32
      %add3A_100 = arith.addi %mul3A_22, %add3A_99 : i32
      "tpu.region"() ({
        %run_scoped3A = tpu.sem_alloc : memref<!tpu.dma_semaphore, #tpu.memory_space<semaphore_mem>>
        %dma_start3A_101 = arith.constant 0 : i32
        %dma_start3A_102 = tpu.memref_slice %arg7[%add3A_100, %dma_start3A_101] : memref<125x80xi32, #tpu.memory_space<vmem>> -> memref<1x80xi32, #tpu.memory_space<vmem>>
        %dma_start3A_103 = tpu.memref_squeeze %dma_start3A_102 : memref<1x80xi32, #tpu.memory_space<vmem>> -> memref<80xi32, #tpu.memory_space<vmem>>
        %dma_start3A_104 = arith.constant 0 : i32
        %dma_start3A_105 = arith.constant 0 : i32
        %dma_start3A_106 = tpu.memref_slice %arg14[%dma_start3A_104, %dma_start3A_105] : memref<10112x16xf32, #tpu.memory_space<vmem_shared>> -> memref<10112x16xf32, #tpu.memory_space<vmem_shared>>
        tpu.enqueue_indirect_dma source(%arg13 : memref<80x16xf32, #tpu.memory_space<vmem>>) target(%dma_start3A_106 : memref<10112x16xf32, #tpu.memory_space<vmem_shared>>) offsets(%dma_start3A_103 : memref<80xi32, #tpu.memory_space<vmem>>) semaphore(%run_scoped3A : memref<!tpu.dma_semaphore, #tpu.memory_space<semaphore_mem>>) {add = true}
        %dma_wait3A_107 = arith.constant 0 : i32
        %dma_wait3A_108 = tpu.memref_slice %arg7[%add3A_100, %dma_wait3A_107] : memref<125x80xi32, #tpu.memory_space<vmem>> -> memref<1x80xi32, #tpu.memory_space<vmem>>
        %dma_wait3A_109 = tpu.memref_squeeze %dma_wait3A_108 : memref<1x80xi32, #tpu.memory_space<vmem>> -> memref<80xi32, #tpu.memory_space<vmem>>
        %dma_wait3A_110 = arith.constant 0 : i32
        %dma_wait3A_111 = arith.constant 0 : i32
        %dma_wait3A_112 = tpu.memref_slice %arg14[%dma_wait3A_110, %dma_wait3A_111] : memref<10112x16xf32, #tpu.memory_space<vmem_shared>> -> memref<10112x16xf32, #tpu.memory_space<vmem_shared>>
        tpu.wait_indirect_dma semaphore(%run_scoped3A : memref<!tpu.dma_semaphore, #tpu.memory_space<semaphore_mem>>) src(%arg13 : memref<80x16xf32, #tpu.memory_space<vmem>>) dst(%dma_wait3A_112 : memref<10112x16xf32, #tpu.memory_space<vmem_shared>>)
        tpu.yield
      }) : () -> ()
    }
    %scan3A_14 = arith.constant 25 : i32
    %barrier3A_15 = arith.constant 0 : index
    tpu.barrier barrier_id(%barrier3A_15)
    %mul3A_16 = arith.constant 632 : i32
    %mul3A_17 = arith.muli %arg1, %mul3A_16 : i32
    "tpu.region"() ({
      %run_scoped3A = tpu.sem_alloc : memref<!tpu.dma_semaphore, #tpu.memory_space<semaphore_mem>>
      %dma_start3A = arith.constant 0 : i32
      %dma_start3A_20 = tpu.memref_slice %arg14[%mul3A_17, %dma_start3A] : memref<10112x16xf32, #tpu.memory_space<vmem_shared>> -> memref<632x16xf32, #tpu.memory_space<vmem_shared>>
      %dma_start3A_21 = arith.constant 0 : i32
      %dma_start3A_22 = tpu.memref_slice %arg14[%mul3A_17, %dma_start3A_21] : memref<10112x16xf32, #tpu.memory_space<vmem_shared>> -> memref<632x16xf32, #tpu.memory_space<vmem_shared>>
      tpu.enqueue_dma source(%dma_start3A_22 : memref<632x16xf32, #tpu.memory_space<vmem_shared>>) target(%arg8 : memref<632x16xf32, #tpu.memory_space<vmem>>) target_semaphore(%run_scoped3A : memref<!tpu.dma_semaphore, #tpu.memory_space<semaphore_mem>>)
      %dma_wait3A = arith.constant 0 : i32
      %dma_wait3A_23 = tpu.memref_slice %arg14[%mul3A_17, %dma_wait3A] : memref<10112x16xf32, #tpu.memory_space<vmem_shared>> -> memref<632x16xf32, #tpu.memory_space<vmem_shared>>
      %dma_wait3A_24 = arith.constant 0 : i32
      %dma_wait3A_25 = tpu.memref_slice %arg14[%mul3A_17, %dma_wait3A_24] : memref<10112x16xf32, #tpu.memory_space<vmem_shared>> -> memref<632x16xf32, #tpu.memory_space<vmem_shared>>
      tpu.wait_dma2 semaphore(%run_scoped3A : memref<!tpu.dma_semaphore, #tpu.memory_space<semaphore_mem>>) src(%dma_wait3A_25 : memref<632x16xf32, #tpu.memory_space<vmem_shared>>) dst(%arg8 : memref<632x16xf32, #tpu.memory_space<vmem>>)
      tpu.yield
    }) : () -> ()
    %mul3A_18 = arith.constant 632 : i32
    %mul3A_19 = arith.muli %arg1, %mul3A_18 : i32
    "tpu.region"() ({
      %run_scoped3A = tpu.sem_alloc : memref<!tpu.dma_semaphore, #tpu.memory_space<semaphore_mem>>
      %dma_start3A = arith.constant 0 : i32
      %dma_start3A_20 = tpu.memref_slice %arg5[%arg0, %mul3A_19, %dma_start3A] : memref<2x10112x16xf32, #tpu.memory_space<hbm>> -> memref<1x632x16xf32, #tpu.memory_space<hbm>>
      %dma_start3A_21 = tpu.memref_squeeze %dma_start3A_20 : memref<1x632x16xf32, #tpu.memory_space<hbm>> -> memref<632x16xf32, #tpu.memory_space<hbm>>
      %dma_start3A_22 = arith.constant 0 : i32
      %dma_start3A_23 = tpu.memref_slice %arg5[%arg0, %mul3A_19, %dma_start3A_22] : memref<2x10112x16xf32, #tpu.memory_space<hbm>> -> memref<1x632x16xf32, #tpu.memory_space<hbm>>
      %dma_start3A_24 = tpu.memref_squeeze %dma_start3A_23 : memref<1x632x16xf32, #tpu.memory_space<hbm>> -> memref<632x16xf32, #tpu.memory_space<hbm>>
      tpu.enqueue_dma source(%arg8 : memref<632x16xf32, #tpu.memory_space<vmem>>) target(%dma_start3A_24 : memref<632x16xf32, #tpu.memory_space<hbm>>) target_semaphore(%run_scoped3A : memref<!tpu.dma_semaphore, #tpu.memory_space<semaphore_mem>>)
      %dma_wait3A = arith.constant 0 : i32
      %dma_wait3A_25 = tpu.memref_slice %arg5[%arg0, %mul3A_19, %dma_wait3A] : memref<2x10112x16xf32, #tpu.memory_space<hbm>> -> memref<1x632x16xf32, #tpu.memory_space<hbm>>
      %dma_wait3A_26 = tpu.memref_squeeze %dma_wait3A_25 : memref<1x632x16xf32, #tpu.memory_space<hbm>> -> memref<632x16xf32, #tpu.memory_space<hbm>>
      %dma_wait3A_27 = arith.constant 0 : i32
      %dma_wait3A_28 = tpu.memref_slice %arg5[%arg0, %mul3A_19, %dma_wait3A_27] : memref<2x10112x16xf32, #tpu.memory_space<hbm>> -> memref<1x632x16xf32, #tpu.memory_space<hbm>>
      %dma_wait3A_29 = tpu.memref_squeeze %dma_wait3A_28 : memref<1x632x16xf32, #tpu.memory_space<hbm>> -> memref<632x16xf32, #tpu.memory_space<hbm>>
      tpu.wait_dma2 semaphore(%run_scoped3A : memref<!tpu.dma_semaphore, #tpu.memory_space<semaphore_mem>>) src(%arg8 : memref<632x16xf32, #tpu.memory_space<vmem>>) dst(%dma_wait3A_29 : memref<632x16xf32, #tpu.memory_space<hbm>>)
      tpu.yield
    }) : () -> ()
    return
  }
}

#map = affine_map<(d0, d1) -> (0, 0)>
#map1 = affine_map<(d0, d1) -> (0, 0, 0)>
module attributes {stable_mosaic.version = 14 : i64} {
  func.func @agg_kernel(%arg0: i32, %arg1: i32, %arg2: memref<10000x16xf32, #tpu.memory_space<hbm>>, %arg3: memref<32x125x80xi32, #tpu.memory_space<hbm>>, %arg4: memref<32x125x80xi32, #tpu.memory_space<hbm>>, %arg5: memref<2x10112x16xf32, #tpu.memory_space<hbm>>, %arg6: memref<125x80xi32, #tpu.memory_space<vmem>>, %arg7: memref<125x80xi32, #tpu.memory_space<vmem>>, %arg8: memref<632x16xf32, #tpu.memory_space<vmem>>, %arg9: memref<80x16xf32, #tpu.memory_space<vmem>>, %arg10: memref<80x16xf32, #tpu.memory_space<vmem>>, %arg11: memref<80x16xf32, #tpu.memory_space<vmem>>, %arg12: memref<80x16xf32, #tpu.memory_space<vmem>>, %arg13: memref<80x16xf32, #tpu.memory_space<vmem>>, %arg14: memref<10112x16xf32, #tpu.memory_space<vmem_shared>>, %arg15: memref<!tpu.dma_semaphore, #tpu.memory_space<semaphore_mem>>) attributes {dimension_semantics = [#tpu.dimension_semantics<core_parallel>, #tpu.dimension_semantics<subcore_parallel>], iteration_bounds = array<i64: 2, 16>, scalar_prefetch = 0 : i64, scratch_operands = 10 : i64, tpu.core_type = #tpu.core_type<sc_vector_subcore>, window_params = [{transform_indices = #map}, {transform_indices = #map1}, {transform_indices = #map1}, {transform_indices = #map1}]} {
    %mul3A = arith.constant 2 : i32
    %mul3A_0 = arith.muli %arg1, %mul3A : i32
    %add3A = arith.addi %mul3A_0, %arg0 : i32
    "tpu.region"() ({
      %run_scoped3A = tpu.sem_alloc : memref<!tpu.dma_semaphore, #tpu.memory_space<semaphore_mem>>
      %dma_start3A = arith.constant 0 : i32
      %dma_start3A_20 = arith.constant 0 : i32
      %dma_start3A_21 = tpu.memref_slice %arg3[%add3A, %dma_start3A, %dma_start3A_20] : memref<32x125x80xi32, #tpu.memory_space<hbm>> -> memref<1x125x80xi32, #tpu.memory_space<hbm>>
      %dma_start3A_22 = tpu.memref_squeeze %dma_start3A_21 : memref<1x125x80xi32, #tpu.memory_space<hbm>> -> memref<125x80xi32, #tpu.memory_space<hbm>>
      %dma_start3A_23 = arith.constant 0 : i32
      %dma_start3A_24 = arith.constant 0 : i32
      %dma_start3A_25 = tpu.memref_slice %arg3[%add3A, %dma_start3A_23, %dma_start3A_24] : memref<32x125x80xi32, #tpu.memory_space<hbm>> -> memref<1x125x80xi32, #tpu.memory_space<hbm>>
      %dma_start3A_26 = tpu.memref_squeeze %dma_start3A_25 : memref<1x125x80xi32, #tpu.memory_space<hbm>> -> memref<125x80xi32, #tpu.memory_space<hbm>>
      tpu.enqueue_dma source(%dma_start3A_26 : memref<125x80xi32, #tpu.memory_space<hbm>>) target(%arg6 : memref<125x80xi32, #tpu.memory_space<vmem>>) target_semaphore(%run_scoped3A : memref<!tpu.dma_semaphore, #tpu.memory_space<semaphore_mem>>)
      %dma_wait3A = arith.constant 0 : i32
      %dma_wait3A_27 = arith.constant 0 : i32
      %dma_wait3A_28 = tpu.memref_slice %arg3[%add3A, %dma_wait3A, %dma_wait3A_27] : memref<32x125x80xi32, #tpu.memory_space<hbm>> -> memref<1x125x80xi32, #tpu.memory_space<hbm>>
      %dma_wait3A_29 = tpu.memref_squeeze %dma_wait3A_28 : memref<1x125x80xi32, #tpu.memory_space<hbm>> -> memref<125x80xi32, #tpu.memory_space<hbm>>
      %dma_wait3A_30 = arith.constant 0 : i32
      %dma_wait3A_31 = arith.constant 0 : i32
      %dma_wait3A_32 = tpu.memref_slice %arg3[%add3A, %dma_wait3A_30, %dma_wait3A_31] : memref<32x125x80xi32, #tpu.memory_space<hbm>> -> memref<1x125x80xi32, #tpu.memory_space<hbm>>
      %dma_wait3A_33 = tpu.memref_squeeze %dma_wait3A_32 : memref<1x125x80xi32, #tpu.memory_space<hbm>> -> memref<125x80xi32, #tpu.memory_space<hbm>>
      tpu.wait_dma2 semaphore(%run_scoped3A : memref<!tpu.dma_semaphore, #tpu.memory_space<semaphore_mem>>) src(%dma_wait3A_33 : memref<125x80xi32, #tpu.memory_space<hbm>>) dst(%arg6 : memref<125x80xi32, #tpu.memory_space<vmem>>)
      tpu.yield
    }) : () -> ()
    "tpu.region"() ({
      %run_scoped3A = tpu.sem_alloc : memref<!tpu.dma_semaphore, #tpu.memory_space<semaphore_mem>>
      %dma_start3A = arith.constant 0 : i32
      %dma_start3A_20 = arith.constant 0 : i32
      %dma_start3A_21 = tpu.memref_slice %arg4[%add3A, %dma_start3A, %dma_start3A_20] : memref<32x125x80xi32, #tpu.memory_space<hbm>> -> memref<1x125x80xi32, #tpu.memory_space<hbm>>
      %dma_start3A_22 = tpu.memref_squeeze %dma_start3A_21 : memref<1x125x80xi32, #tpu.memory_space<hbm>> -> memref<125x80xi32, #tpu.memory_space<hbm>>
      %dma_start3A_23 = arith.constant 0 : i32
      %dma_start3A_24 = arith.constant 0 : i32
      %dma_start3A_25 = tpu.memref_slice %arg4[%add3A, %dma_start3A_23, %dma_start3A_24] : memref<32x125x80xi32, #tpu.memory_space<hbm>> -> memref<1x125x80xi32, #tpu.memory_space<hbm>>
      %dma_start3A_26 = tpu.memref_squeeze %dma_start3A_25 : memref<1x125x80xi32, #tpu.memory_space<hbm>> -> memref<125x80xi32, #tpu.memory_space<hbm>>
      tpu.enqueue_dma source(%dma_start3A_26 : memref<125x80xi32, #tpu.memory_space<hbm>>) target(%arg7 : memref<125x80xi32, #tpu.memory_space<vmem>>) target_semaphore(%run_scoped3A : memref<!tpu.dma_semaphore, #tpu.memory_space<semaphore_mem>>)
      %dma_wait3A = arith.constant 0 : i32
      %dma_wait3A_27 = arith.constant 0 : i32
      %dma_wait3A_28 = tpu.memref_slice %arg4[%add3A, %dma_wait3A, %dma_wait3A_27] : memref<32x125x80xi32, #tpu.memory_space<hbm>> -> memref<1x125x80xi32, #tpu.memory_space<hbm>>
      %dma_wait3A_29 = tpu.memref_squeeze %dma_wait3A_28 : memref<1x125x80xi32, #tpu.memory_space<hbm>> -> memref<125x80xi32, #tpu.memory_space<hbm>>
      %dma_wait3A_30 = arith.constant 0 : i32
      %dma_wait3A_31 = arith.constant 0 : i32
      %dma_wait3A_32 = tpu.memref_slice %arg4[%add3A, %dma_wait3A_30, %dma_wait3A_31] : memref<32x125x80xi32, #tpu.memory_space<hbm>> -> memref<1x125x80xi32, #tpu.memory_space<hbm>>
      %dma_wait3A_33 = tpu.memref_squeeze %dma_wait3A_32 : memref<1x125x80xi32, #tpu.memory_space<hbm>> -> memref<125x80xi32, #tpu.memory_space<hbm>>
      tpu.wait_dma2 semaphore(%run_scoped3A : memref<!tpu.dma_semaphore, #tpu.memory_space<semaphore_mem>>) src(%dma_wait3A_33 : memref<125x80xi32, #tpu.memory_space<hbm>>) dst(%arg7 : memref<125x80xi32, #tpu.memory_space<vmem>>)
      tpu.yield
    }) : () -> ()
    %broadcast_in_dim3A = arith.constant 0.000000e+00 : f32
    %broadcast_in_dim3A_1 = vector.broadcast %broadcast_in_dim3A : f32 to vector<16xf32>
    %scan3A = arith.constant 0 : i32
    %scan3A_2 = arith.constant 0 : i32
    %scan3A_3 = arith.constant 632 : i32
    %scan3A_4 = arith.addi %scan3A_2, %scan3A_3 : i32
    %scan3A_5 = arith.constant 1 : i32
    scf.for %scan3A_20 = %scan3A_2 to %scan3A_4 step %scan3A_5  : i32 {
      %swap3A = arith.index_cast %scan3A_20 : i32 to index
      %swap3A_21 = arith.constant 0 : index
      %swap3A_22 = tpu.vector_load %arg8[%swap3A, %swap3A_21] {strides = array<i32>} : memref<632x16xf32, #tpu.memory_space<vmem>>, vector<1x16xf32>,
      %swap3A_23 = vector.shape_cast %swap3A_22 : vector<1x16xf32> to vector<16xf32>
      %swap3A_24 = vector.shape_cast %broadcast_in_dim3A_1 : vector<16xf32> to vector<1x16xf32>
      tpu.vector_store %arg8[%swap3A, %swap3A_21], %swap3A_24 {strides = array<i32>} : memref<632x16xf32, #tpu.memory_space<vmem>>, vector<1x16xf32>,
    }
    %scan3A_6 = arith.constant 632 : i32
    %mul3A_7 = arith.constant 632 : i32
    %mul3A_8 = arith.muli %arg1, %mul3A_7 : i32
    "tpu.region"() ({
      %run_scoped3A = tpu.sem_alloc : memref<!tpu.dma_semaphore, #tpu.memory_space<semaphore_mem>>
      %dma_start3A = arith.constant 0 : i32
      %dma_start3A_20 = tpu.memref_slice %arg14[%mul3A_8, %dma_start3A] : memref<10112x16xf32, #tpu.memory_space<vmem_shared>> -> memref<632x16xf32, #tpu.memory_space<vmem_shared>>
      %dma_start3A_21 = arith.constant 0 : i32
      %dma_start3A_22 = tpu.memref_slice %arg14[%mul3A_8, %dma_start3A_21] : memref<10112x16xf32, #tpu.memory_space<vmem_shared>> -> memref<632x16xf32, #tpu.memory_space<vmem_shared>>
      tpu.enqueue_dma source(%arg8 : memref<632x16xf32, #tpu.memory_space<vmem>>) target(%dma_start3A_22 : memref<632x16xf32, #tpu.memory_space<vmem_shared>>) target_semaphore(%run_scoped3A : memref<!tpu.dma_semaphore, #tpu.memory_space<semaphore_mem>>)
      %dma_wait3A = arith.constant 0 : i32
      %dma_wait3A_23 = tpu.memref_slice %arg14[%mul3A_8, %dma_wait3A] : memref<10112x16xf32, #tpu.memory_space<vmem_shared>> -> memref<632x16xf32, #tpu.memory_space<vmem_shared>>
      %dma_wait3A_24 = arith.constant 0 : i32
      %dma_wait3A_25 = tpu.memref_slice %arg14[%mul3A_8, %dma_wait3A_24] : memref<10112x16xf32, #tpu.memory_space<vmem_shared>> -> memref<632x16xf32, #tpu.memory_space<vmem_shared>>
      tpu.wait_dma2 semaphore(%run_scoped3A : memref<!tpu.dma_semaphore, #tpu.memory_space<semaphore_mem>>) src(%arg8 : memref<632x16xf32, #tpu.memory_space<vmem>>) dst(%dma_wait3A_25 : memref<632x16xf32, #tpu.memory_space<vmem_shared>>)
      tpu.yield
    }) : () -> ()
    %barrier3A = arith.constant 0 : index
    tpu.barrier barrier_id(%barrier3A)
    %scan3A_9 = arith.constant 0 : i32
    %scan3A_10 = arith.constant 0 : i32
    %scan3A_11 = arith.constant 25 : i32
    %scan3A_12 = arith.addi %scan3A_10, %scan3A_11 : i32
    %scan3A_13 = arith.constant 1 : i32
    scf.for %scan3A_20 = %scan3A_10 to %scan3A_12 step %scan3A_13  : i32 {
      %mul3A_21 = arith.constant 5 : i32
      %mul3A_22 = arith.muli %scan3A_20, %mul3A_21 : i32
      %add3A_23 = arith.constant 0 : i32
      %add3A_24 = arith.addi %mul3A_22, %add3A_23 : i32
      %dma_start3A = arith.constant 0 : i32
      %dma_start3A_25 = tpu.memref_slice %arg6[%add3A_24, %dma_start3A] : memref<125x80xi32, #tpu.memory_space<vmem>> -> memref<1x80xi32, #tpu.memory_space<vmem>>
      %dma_start3A_26 = tpu.memref_squeeze %dma_start3A_25 : memref<1x80xi32, #tpu.memory_space<vmem>> -> memref<80xi32, #tpu.memory_space<vmem>>
      %dma_start3A_27 = arith.constant 0 : i32
      %dma_start3A_28 = arith.constant 0 : i32
      %dma_start3A_29 = tpu.memref_slice %arg2[%dma_start3A_27, %dma_start3A_28] : memref<10000x16xf32, #tpu.memory_space<hbm>> -> memref<10000x16xf32, #tpu.memory_space<hbm>>
      tpu.enqueue_indirect_dma source(%dma_start3A_29 : memref<10000x16xf32, #tpu.memory_space<hbm>>) target(%arg9 : memref<80x16xf32, #tpu.memory_space<vmem>>) offsets(%dma_start3A_26 : memref<80xi32, #tpu.memory_space<vmem>>) semaphore(%arg15 : memref<!tpu.dma_semaphore, #tpu.memory_space<semaphore_mem>>)
      %add3A_30 = arith.constant 1 : i32
      %add3A_31 = arith.addi %mul3A_22, %add3A_30 : i32
      %dma_start3A_32 = arith.constant 0 : i32
      %dma_start3A_33 = tpu.memref_slice %arg6[%add3A_31, %dma_start3A_32] : memref<125x80xi32, #tpu.memory_space<vmem>> -> memref<1x80xi32, #tpu.memory_space<vmem>>
      %dma_start3A_34 = tpu.memref_squeeze %dma_start3A_33 : memref<1x80xi32, #tpu.memory_space<vmem>> -> memref<80xi32, #tpu.memory_space<vmem>>
      %dma_start3A_35 = arith.constant 0 : i32
      %dma_start3A_36 = arith.constant 0 : i32
      %dma_start3A_37 = tpu.memref_slice %arg2[%dma_start3A_35, %dma_start3A_36] : memref<10000x16xf32, #tpu.memory_space<hbm>> -> memref<10000x16xf32, #tpu.memory_space<hbm>>
      tpu.enqueue_indirect_dma source(%dma_start3A_37 : memref<10000x16xf32, #tpu.memory_space<hbm>>) target(%arg10 : memref<80x16xf32, #tpu.memory_space<vmem>>) offsets(%dma_start3A_34 : memref<80xi32, #tpu.memory_space<vmem>>) semaphore(%arg15 : memref<!tpu.dma_semaphore, #tpu.memory_space<semaphore_mem>>)
      %add3A_38 = arith.constant 2 : i32
      %add3A_39 = arith.addi %mul3A_22, %add3A_38 : i32
      %dma_start3A_40 = arith.constant 0 : i32
      %dma_start3A_41 = tpu.memref_slice %arg6[%add3A_39, %dma_start3A_40] : memref<125x80xi32, #tpu.memory_space<vmem>> -> memref<1x80xi32, #tpu.memory_space<vmem>>
      %dma_start3A_42 = tpu.memref_squeeze %dma_start3A_41 : memref<1x80xi32, #tpu.memory_space<vmem>> -> memref<80xi32, #tpu.memory_space<vmem>>
      %dma_start3A_43 = arith.constant 0 : i32
      %dma_start3A_44 = arith.constant 0 : i32
      %dma_start3A_45 = tpu.memref_slice %arg2[%dma_start3A_43, %dma_start3A_44] : memref<10000x16xf32, #tpu.memory_space<hbm>> -> memref<10000x16xf32, #tpu.memory_space<hbm>>
      tpu.enqueue_indirect_dma source(%dma_start3A_45 : memref<10000x16xf32, #tpu.memory_space<hbm>>) target(%arg11 : memref<80x16xf32, #tpu.memory_space<vmem>>) offsets(%dma_start3A_42 : memref<80xi32, #tpu.memory_space<vmem>>) semaphore(%arg15 : memref<!tpu.dma_semaphore, #tpu.memory_space<semaphore_mem>>)
      %add3A_46 = arith.constant 3 : i32
      %add3A_47 = arith.addi %mul3A_22, %add3A_46 : i32
      %dma_start3A_48 = arith.constant 0 : i32
      %dma_start3A_49 = tpu.memref_slice %arg6[%add3A_47, %dma_start3A_48] : memref<125x80xi32, #tpu.memory_space<vmem>> -> memref<1x80xi32, #tpu.memory_space<vmem>>
      %dma_start3A_50 = tpu.memref_squeeze %dma_start3A_49 : memref<1x80xi32, #tpu.memory_space<vmem>> -> memref<80xi32, #tpu.memory_space<vmem>>
      %dma_start3A_51 = arith.constant 0 : i32
      %dma_start3A_52 = arith.constant 0 : i32
      %dma_start3A_53 = tpu.memref_slice %arg2[%dma_start3A_51, %dma_start3A_52] : memref<10000x16xf32, #tpu.memory_space<hbm>> -> memref<10000x16xf32, #tpu.memory_space<hbm>>
      tpu.enqueue_indirect_dma source(%dma_start3A_53 : memref<10000x16xf32, #tpu.memory_space<hbm>>) target(%arg12 : memref<80x16xf32, #tpu.memory_space<vmem>>) offsets(%dma_start3A_50 : memref<80xi32, #tpu.memory_space<vmem>>) semaphore(%arg15 : memref<!tpu.dma_semaphore, #tpu.memory_space<semaphore_mem>>)
      %add3A_54 = arith.constant 4 : i32
      %add3A_55 = arith.addi %mul3A_22, %add3A_54 : i32
      %dma_start3A_56 = arith.constant 0 : i32
      %dma_start3A_57 = tpu.memref_slice %arg6[%add3A_55, %dma_start3A_56] : memref<125x80xi32, #tpu.memory_space<vmem>> -> memref<1x80xi32, #tpu.memory_space<vmem>>
      %dma_start3A_58 = tpu.memref_squeeze %dma_start3A_57 : memref<1x80xi32, #tpu.memory_space<vmem>> -> memref<80xi32, #tpu.memory_space<vmem>>
      %dma_start3A_59 = arith.constant 0 : i32
      %dma_start3A_60 = arith.constant 0 : i32
      %dma_start3A_61 = tpu.memref_slice %arg2[%dma_start3A_59, %dma_start3A_60] : memref<10000x16xf32, #tpu.memory_space<hbm>> -> memref<10000x16xf32, #tpu.memory_space<hbm>>
      tpu.enqueue_indirect_dma source(%dma_start3A_61 : memref<10000x16xf32, #tpu.memory_space<hbm>>) target(%arg13 : memref<80x16xf32, #tpu.memory_space<vmem>>) offsets(%dma_start3A_58 : memref<80xi32, #tpu.memory_space<vmem>>) semaphore(%arg15 : memref<!tpu.dma_semaphore, #tpu.memory_space<semaphore_mem>>)
      %dma_wait3A = arith.constant 0 : i32
      %dma_wait3A_62 = tpu.memref_slice %arg6[%add3A_24, %dma_wait3A] : memref<125x80xi32, #tpu.memory_space<vmem>> -> memref<1x80xi32, #tpu.memory_space<vmem>>
      %dma_wait3A_63 = tpu.memref_squeeze %dma_wait3A_62 : memref<1x80xi32, #tpu.memory_space<vmem>> -> memref<80xi32, #tpu.memory_space<vmem>>
      %dma_wait3A_64 = arith.constant 0 : i32
      %dma_wait3A_65 = arith.constant 0 : i32
      %dma_wait3A_66 = tpu.memref_slice %arg2[%dma_wait3A_64, %dma_wait3A_65] : memref<10000x16xf32, #tpu.memory_space<hbm>> -> memref<10000x16xf32, #tpu.memory_space<hbm>>
      tpu.wait_indirect_dma semaphore(%arg15 : memref<!tpu.dma_semaphore, #tpu.memory_space<semaphore_mem>>) src(%dma_wait3A_66 : memref<10000x16xf32, #tpu.memory_space<hbm>>) dst(%arg9 : memref<80x16xf32, #tpu.memory_space<vmem>>)
      %dma_wait3A_67 = arith.constant 0 : i32
      %dma_wait3A_68 = tpu.memref_slice %arg6[%add3A_31, %dma_wait3A_67] : memref<125x80xi32, #tpu.memory_space<vmem>> -> memref<1x80xi32, #tpu.memory_space<vmem>>
      %dma_wait3A_69 = tpu.memref_squeeze %dma_wait3A_68 : memref<1x80xi32, #tpu.memory_space<vmem>> -> memref<80xi32, #tpu.memory_space<vmem>>
      %dma_wait3A_70 = arith.constant 0 : i32
      %dma_wait3A_71 = arith.constant 0 : i32
      %dma_wait3A_72 = tpu.memref_slice %arg2[%dma_wait3A_70, %dma_wait3A_71] : memref<10000x16xf32, #tpu.memory_space<hbm>> -> memref<10000x16xf32, #tpu.memory_space<hbm>>
      tpu.wait_indirect_dma semaphore(%arg15 : memref<!tpu.dma_semaphore, #tpu.memory_space<semaphore_mem>>) src(%dma_wait3A_72 : memref<10000x16xf32, #tpu.memory_space<hbm>>) dst(%arg10 : memref<80x16xf32, #tpu.memory_space<vmem>>)
      %dma_wait3A_73 = arith.constant 0 : i32
      %dma_wait3A_74 = tpu.memref_slice %arg6[%add3A_39, %dma_wait3A_73] : memref<125x80xi32, #tpu.memory_space<vmem>> -> memref<1x80xi32, #tpu.memory_space<vmem>>
      %dma_wait3A_75 = tpu.memref_squeeze %dma_wait3A_74 : memref<1x80xi32, #tpu.memory_space<vmem>> -> memref<80xi32, #tpu.memory_space<vmem>>
      %dma_wait3A_76 = arith.constant 0 : i32
      %dma_wait3A_77 = arith.constant 0 : i32
      %dma_wait3A_78 = tpu.memref_slice %arg2[%dma_wait3A_76, %dma_wait3A_77] : memref<10000x16xf32, #tpu.memory_space<hbm>> -> memref<10000x16xf32, #tpu.memory_space<hbm>>
      tpu.wait_indirect_dma semaphore(%arg15 : memref<!tpu.dma_semaphore, #tpu.memory_space<semaphore_mem>>) src(%dma_wait3A_78 : memref<10000x16xf32, #tpu.memory_space<hbm>>) dst(%arg11 : memref<80x16xf32, #tpu.memory_space<vmem>>)
      %dma_wait3A_79 = arith.constant 0 : i32
      %dma_wait3A_80 = tpu.memref_slice %arg6[%add3A_47, %dma_wait3A_79] : memref<125x80xi32, #tpu.memory_space<vmem>> -> memref<1x80xi32, #tpu.memory_space<vmem>>
      %dma_wait3A_81 = tpu.memref_squeeze %dma_wait3A_80 : memref<1x80xi32, #tpu.memory_space<vmem>> -> memref<80xi32, #tpu.memory_space<vmem>>
      %dma_wait3A_82 = arith.constant 0 : i32
      %dma_wait3A_83 = arith.constant 0 : i32
      %dma_wait3A_84 = tpu.memref_slice %arg2[%dma_wait3A_82, %dma_wait3A_83] : memref<10000x16xf32, #tpu.memory_space<hbm>> -> memref<10000x16xf32, #tpu.memory_space<hbm>>
      tpu.wait_indirect_dma semaphore(%arg15 : memref<!tpu.dma_semaphore, #tpu.memory_space<semaphore_mem>>) src(%dma_wait3A_84 : memref<10000x16xf32, #tpu.memory_space<hbm>>) dst(%arg12 : memref<80x16xf32, #tpu.memory_space<vmem>>)
      %dma_wait3A_85 = arith.constant 0 : i32
      %dma_wait3A_86 = tpu.memref_slice %arg6[%add3A_55, %dma_wait3A_85] : memref<125x80xi32, #tpu.memory_space<vmem>> -> memref<1x80xi32, #tpu.memory_space<vmem>>
      %dma_wait3A_87 = tpu.memref_squeeze %dma_wait3A_86 : memref<1x80xi32, #tpu.memory_space<vmem>> -> memref<80xi32, #tpu.memory_space<vmem>>
      %dma_wait3A_88 = arith.constant 0 : i32
      %dma_wait3A_89 = arith.constant 0 : i32
      %dma_wait3A_90 = tpu.memref_slice %arg2[%dma_wait3A_88, %dma_wait3A_89] : memref<10000x16xf32, #tpu.memory_space<hbm>> -> memref<10000x16xf32, #tpu.memory_space<hbm>>
      tpu.wait_indirect_dma semaphore(%arg15 : memref<!tpu.dma_semaphore, #tpu.memory_space<semaphore_mem>>) src(%dma_wait3A_90 : memref<10000x16xf32, #tpu.memory_space<hbm>>) dst(%arg13 : memref<80x16xf32, #tpu.memory_space<vmem>>)
      %add3A_91 = arith.constant 0 : i32
      %add3A_92 = arith.addi %mul3A_22, %add3A_91 : i32
      "tpu.region"() ({
        %run_scoped3A = tpu.sem_alloc : memref<!tpu.dma_semaphore, #tpu.memory_space<semaphore_mem>>
        %dma_start3A_101 = arith.constant 0 : i32
        %dma_start3A_102 = tpu.memref_slice %arg7[%add3A_92, %dma_start3A_101] : memref<125x80xi32, #tpu.memory_space<vmem>> -> memref<1x80xi32, #tpu.memory_space<vmem>>
        %dma_start3A_103 = tpu.memref_squeeze %dma_start3A_102 : memref<1x80xi32, #tpu.memory_space<vmem>> -> memref<80xi32, #tpu.memory_space<vmem>>
        %dma_start3A_104 = arith.constant 0 : i32
        %dma_start3A_105 = arith.constant 0 : i32
        %dma_start3A_106 = tpu.memref_slice %arg14[%dma_start3A_104, %dma_start3A_105] : memref<10112x16xf32, #tpu.memory_space<vmem_shared>> -> memref<10112x16xf32, #tpu.memory_space<vmem_shared>>
        tpu.enqueue_indirect_dma source(%arg9 : memref<80x16xf32, #tpu.memory_space<vmem>>) target(%dma_start3A_106 : memref<10112x16xf32, #tpu.memory_space<vmem_shared>>) offsets(%dma_start3A_103 : memref<80xi32, #tpu.memory_space<vmem>>) semaphore(%run_scoped3A : memref<!tpu.dma_semaphore, #tpu.memory_space<semaphore_mem>>) {add = true}
        %dma_wait3A_107 = arith.constant 0 : i32
        %dma_wait3A_108 = tpu.memref_slice %arg7[%add3A_92, %dma_wait3A_107] : memref<125x80xi32, #tpu.memory_space<vmem>> -> memref<1x80xi32, #tpu.memory_space<vmem>>
        %dma_wait3A_109 = tpu.memref_squeeze %dma_wait3A_108 : memref<1x80xi32, #tpu.memory_space<vmem>> -> memref<80xi32, #tpu.memory_space<vmem>>
        %dma_wait3A_110 = arith.constant 0 : i32
        %dma_wait3A_111 = arith.constant 0 : i32
        %dma_wait3A_112 = tpu.memref_slice %arg14[%dma_wait3A_110, %dma_wait3A_111] : memref<10112x16xf32, #tpu.memory_space<vmem_shared>> -> memref<10112x16xf32, #tpu.memory_space<vmem_shared>>
        tpu.wait_indirect_dma semaphore(%run_scoped3A : memref<!tpu.dma_semaphore, #tpu.memory_space<semaphore_mem>>) src(%arg9 : memref<80x16xf32, #tpu.memory_space<vmem>>) dst(%dma_wait3A_112 : memref<10112x16xf32, #tpu.memory_space<vmem_shared>>)
        tpu.yield
      }) : () -> ()
      %add3A_93 = arith.constant 1 : i32
      %add3A_94 = arith.addi %mul3A_22, %add3A_93 : i32
      "tpu.region"() ({
        %run_scoped3A = tpu.sem_alloc : memref<!tpu.dma_semaphore, #tpu.memory_space<semaphore_mem>>
        %dma_start3A_101 = arith.constant 0 : i32
        %dma_start3A_102 = tpu.memref_slice %arg7[%add3A_94, %dma_start3A_101] : memref<125x80xi32, #tpu.memory_space<vmem>> -> memref<1x80xi32, #tpu.memory_space<vmem>>
        %dma_start3A_103 = tpu.memref_squeeze %dma_start3A_102 : memref<1x80xi32, #tpu.memory_space<vmem>> -> memref<80xi32, #tpu.memory_space<vmem>>
        %dma_start3A_104 = arith.constant 0 : i32
        %dma_start3A_105 = arith.constant 0 : i32
        %dma_start3A_106 = tpu.memref_slice %arg14[%dma_start3A_104, %dma_start3A_105] : memref<10112x16xf32, #tpu.memory_space<vmem_shared>> -> memref<10112x16xf32, #tpu.memory_space<vmem_shared>>
        tpu.enqueue_indirect_dma source(%arg10 : memref<80x16xf32, #tpu.memory_space<vmem>>) target(%dma_start3A_106 : memref<10112x16xf32, #tpu.memory_space<vmem_shared>>) offsets(%dma_start3A_103 : memref<80xi32, #tpu.memory_space<vmem>>) semaphore(%run_scoped3A : memref<!tpu.dma_semaphore, #tpu.memory_space<semaphore_mem>>) {add = true}
        %dma_wait3A_107 = arith.constant 0 : i32
        %dma_wait3A_108 = tpu.memref_slice %arg7[%add3A_94, %dma_wait3A_107] : memref<125x80xi32, #tpu.memory_space<vmem>> -> memref<1x80xi32, #tpu.memory_space<vmem>>
        %dma_wait3A_109 = tpu.memref_squeeze %dma_wait3A_108 : memref<1x80xi32, #tpu.memory_space<vmem>> -> memref<80xi32, #tpu.memory_space<vmem>>
        %dma_wait3A_110 = arith.constant 0 : i32
        %dma_wait3A_111 = arith.constant 0 : i32
        %dma_wait3A_112 = tpu.memref_slice %arg14[%dma_wait3A_110, %dma_wait3A_111] : memref<10112x16xf32, #tpu.memory_space<vmem_shared>> -> memref<10112x16xf32, #tpu.memory_space<vmem_shared>>
        tpu.wait_indirect_dma semaphore(%run_scoped3A : memref<!tpu.dma_semaphore, #tpu.memory_space<semaphore_mem>>) src(%arg10 : memref<80x16xf32, #tpu.memory_space<vmem>>) dst(%dma_wait3A_112 : memref<10112x16xf32, #tpu.memory_space<vmem_shared>>)
        tpu.yield
      }) : () -> ()
      %add3A_95 = arith.constant 2 : i32
      %add3A_96 = arith.addi %mul3A_22, %add3A_95 : i32
      "tpu.region"() ({
        %run_scoped3A = tpu.sem_alloc : memref<!tpu.dma_semaphore, #tpu.memory_space<semaphore_mem>>
        %dma_start3A_101 = arith.constant 0 : i32
        %dma_start3A_102 = tpu.memref_slice %arg7[%add3A_96, %dma_start3A_101] : memref<125x80xi32, #tpu.memory_space<vmem>> -> memref<1x80xi32, #tpu.memory_space<vmem>>
        %dma_start3A_103 = tpu.memref_squeeze %dma_start3A_102 : memref<1x80xi32, #tpu.memory_space<vmem>> -> memref<80xi32, #tpu.memory_space<vmem>>
        %dma_start3A_104 = arith.constant 0 : i32
        %dma_start3A_105 = arith.constant 0 : i32
        %dma_start3A_106 = tpu.memref_slice %arg14[%dma_start3A_104, %dma_start3A_105] : memref<10112x16xf32, #tpu.memory_space<vmem_shared>> -> memref<10112x16xf32, #tpu.memory_space<vmem_shared>>
        tpu.enqueue_indirect_dma source(%arg11 : memref<80x16xf32, #tpu.memory_space<vmem>>) target(%dma_start3A_106 : memref<10112x16xf32, #tpu.memory_space<vmem_shared>>) offsets(%dma_start3A_103 : memref<80xi32, #tpu.memory_space<vmem>>) semaphore(%run_scoped3A : memref<!tpu.dma_semaphore, #tpu.memory_space<semaphore_mem>>) {add = true}
        %dma_wait3A_107 = arith.constant 0 : i32
        %dma_wait3A_108 = tpu.memref_slice %arg7[%add3A_96, %dma_wait3A_107] : memref<125x80xi32, #tpu.memory_space<vmem>> -> memref<1x80xi32, #tpu.memory_space<vmem>>
        %dma_wait3A_109 = tpu.memref_squeeze %dma_wait3A_108 : memref<1x80xi32, #tpu.memory_space<vmem>> -> memref<80xi32, #tpu.memory_space<vmem>>
        %dma_wait3A_110 = arith.constant 0 : i32
        %dma_wait3A_111 = arith.constant 0 : i32
        %dma_wait3A_112 = tpu.memref_slice %arg14[%dma_wait3A_110, %dma_wait3A_111] : memref<10112x16xf32, #tpu.memory_space<vmem_shared>> -> memref<10112x16xf32, #tpu.memory_space<vmem_shared>>
        tpu.wait_indirect_dma semaphore(%run_scoped3A : memref<!tpu.dma_semaphore, #tpu.memory_space<semaphore_mem>>) src(%arg11 : memref<80x16xf32, #tpu.memory_space<vmem>>) dst(%dma_wait3A_112 : memref<10112x16xf32, #tpu.memory_space<vmem_shared>>)
        tpu.yield
      }) : () -> ()
      %add3A_97 = arith.constant 3 : i32
      %add3A_98 = arith.addi %mul3A_22, %add3A_97 : i32
      "tpu.region"() ({
        %run_scoped3A = tpu.sem_alloc : memref<!tpu.dma_semaphore, #tpu.memory_space<semaphore_mem>>
        %dma_start3A_101 = arith.constant 0 : i32
        %dma_start3A_102 = tpu.memref_slice %arg7[%add3A_98, %dma_start3A_101] : memref<125x80xi32, #tpu.memory_space<vmem>> -> memref<1x80xi32, #tpu.memory_space<vmem>>
        %dma_start3A_103 = tpu.memref_squeeze %dma_start3A_102 : memref<1x80xi32, #tpu.memory_space<vmem>> -> memref<80xi32, #tpu.memory_space<vmem>>
        %dma_start3A_104 = arith.constant 0 : i32
        %dma_start3A_105 = arith.constant 0 : i32
        %dma_start3A_106 = tpu.memref_slice %arg14[%dma_start3A_104, %dma_start3A_105] : memref<10112x16xf32, #tpu.memory_space<vmem_shared>> -> memref<10112x16xf32, #tpu.memory_space<vmem_shared>>
        tpu.enqueue_indirect_dma source(%arg12 : memref<80x16xf32, #tpu.memory_space<vmem>>) target(%dma_start3A_106 : memref<10112x16xf32, #tpu.memory_space<vmem_shared>>) offsets(%dma_start3A_103 : memref<80xi32, #tpu.memory_space<vmem>>) semaphore(%run_scoped3A : memref<!tpu.dma_semaphore, #tpu.memory_space<semaphore_mem>>) {add = true}
        %dma_wait3A_107 = arith.constant 0 : i32
        %dma_wait3A_108 = tpu.memref_slice %arg7[%add3A_98, %dma_wait3A_107] : memref<125x80xi32, #tpu.memory_space<vmem>> -> memref<1x80xi32, #tpu.memory_space<vmem>>
        %dma_wait3A_109 = tpu.memref_squeeze %dma_wait3A_108 : memref<1x80xi32, #tpu.memory_space<vmem>> -> memref<80xi32, #tpu.memory_space<vmem>>
        %dma_wait3A_110 = arith.constant 0 : i32
        %dma_wait3A_111 = arith.constant 0 : i32
        %dma_wait3A_112 = tpu.memref_slice %arg14[%dma_wait3A_110, %dma_wait3A_111] : memref<10112x16xf32, #tpu.memory_space<vmem_shared>> -> memref<10112x16xf32, #tpu.memory_space<vmem_shared>>
        tpu.wait_indirect_dma semaphore(%run_scoped3A : memref<!tpu.dma_semaphore, #tpu.memory_space<semaphore_mem>>) src(%arg12 : memref<80x16xf32, #tpu.memory_space<vmem>>) dst(%dma_wait3A_112 : memref<10112x16xf32, #tpu.memory_space<vmem_shared>>)
        tpu.yield
      }) : () -> ()
      %add3A_99 = arith.constant 4 : i32
      %add3A_100 = arith.addi %mul3A_22, %add3A_99 : i32
      "tpu.region"() ({
        %run_scoped3A = tpu.sem_alloc : memref<!tpu.dma_semaphore, #tpu.memory_space<semaphore_mem>>
        %dma_start3A_101 = arith.constant 0 : i32
        %dma_start3A_102 = tpu.memref_slice %arg7[%add3A_100, %dma_start3A_101] : memref<125x80xi32, #tpu.memory_space<vmem>> -> memref<1x80xi32, #tpu.memory_space<vmem>>
        %dma_start3A_103 = tpu.memref_squeeze %dma_start3A_102 : memref<1x80xi32, #tpu.memory_space<vmem>> -> memref<80xi32, #tpu.memory_space<vmem>>
        %dma_start3A_104 = arith.constant 0 : i32
        %dma_start3A_105 = arith.constant 0 : i32
        %dma_start3A_106 = tpu.memref_slice %arg14[%dma_start3A_104, %dma_start3A_105] : memref<10112x16xf32, #tpu.memory_space<vmem_shared>> -> memref<10112x16xf32, #tpu.memory_space<vmem_shared>>
        tpu.enqueue_indirect_dma source(%arg13 : memref<80x16xf32, #tpu.memory_space<vmem>>) target(%dma_start3A_106 : memref<10112x16xf32, #tpu.memory_space<vmem_shared>>) offsets(%dma_start3A_103 : memref<80xi32, #tpu.memory_space<vmem>>) semaphore(%run_scoped3A : memref<!tpu.dma_semaphore, #tpu.memory_space<semaphore_mem>>) {add = true}
        %dma_wait3A_107 = arith.constant 0 : i32
        %dma_wait3A_108 = tpu.memref_slice %arg7[%add3A_100, %dma_wait3A_107] : memref<125x80xi32, #tpu.memory_space<vmem>> -> memref<1x80xi32, #tpu.memory_space<vmem>>
        %dma_wait3A_109 = tpu.memref_squeeze %dma_wait3A_108 : memref<1x80xi32, #tpu.memory_space<vmem>> -> memref<80xi32, #tpu.memory_space<vmem>>
        %dma_wait3A_110 = arith.constant 0 : i32
        %dma_wait3A_111 = arith.constant 0 : i32
        %dma_wait3A_112 = tpu.memref_slice %arg14[%dma_wait3A_110, %dma_wait3A_111] : memref<10112x16xf32, #tpu.memory_space<vmem_shared>> -> memref<10112x16xf32, #tpu.memory_space<vmem_shared>>
        tpu.wait_indirect_dma semaphore(%run_scoped3A : memref<!tpu.dma_semaphore, #tpu.memory_space<semaphore_mem>>) src(%arg13 : memref<80x16xf32, #tpu.memory_space<vmem>>) dst(%dma_wait3A_112 : memref<10112x16xf32, #tpu.memory_space<vmem_shared>>)
        tpu.yield
      }) : () -> ()
    }
    %scan3A_14 = arith.constant 25 : i32
    %barrier3A_15 = arith.constant 0 : index
    tpu.barrier barrier_id(%barrier3A_15)
    %mul3A_16 = arith.constant 632 : i32
    %mul3A_17 = arith.muli %arg1, %mul3A_16 : i32
    "tpu.region"() ({
      %run_scoped3A = tpu.sem_alloc : memref<!tpu.dma_semaphore, #tpu.memory_space<semaphore_mem>>
      %dma_start3A = arith.constant 0 : i32
      %dma_start3A_20 = tpu.memref_slice %arg14[%mul3A_17, %dma_start3A] : memref<10112x16xf32, #tpu.memory_space<vmem_shared>> -> memref<632x16xf32, #tpu.memory_space<vmem_shared>>
      %dma_start3A_21 = arith.constant 0 : i32
      %dma_start3A_22 = tpu.memref_slice %arg14[%mul3A_17, %dma_start3A_21] : memref<10112x16xf32, #tpu.memory_space<vmem_shared>> -> memref<632x16xf32, #tpu.memory_space<vmem_shared>>
      tpu.enqueue_dma source(%dma_start3A_22 : memref<632x16xf32, #tpu.memory_space<vmem_shared>>) target(%arg8 : memref<632x16xf32, #tpu.memory_space<vmem>>) target_semaphore(%run_scoped3A : memref<!tpu.dma_semaphore, #tpu.memory_space<semaphore_mem>>)
      %dma_wait3A = arith.constant 0 : i32
      %dma_wait3A_23 = tpu.memref_slice %arg14[%mul3A_17, %dma_wait3A] : memref<10112x16xf32, #tpu.memory_space<vmem_shared>> -> memref<632x16xf32, #tpu.memory_space<vmem_shared>>
      %dma_wait3A_24 = arith.constant 0 : i32
      %dma_wait3A_25 = tpu.memref_slice %arg14[%mul3A_17, %dma_wait3A_24] : memref<10112x16xf32, #tpu.memory_space<vmem_shared>> -> memref<632x16xf32, #tpu.memory_space<vmem_shared>>
      tpu.wait_dma2 semaphore(%run_scoped3A : memref<!tpu.dma_semaphore, #tpu.memory_space<semaphore_mem>>) src(%dma_wait3A_25 : memref<632x16xf32, #tpu.memory_space<vmem_shared>>) dst(%arg8 : memref<632x16xf32, #tpu.memory_space<vmem>>)
      tpu.yield
    }) : () -> ()
    %mul3A_18 = arith.constant 632 : i32
    %mul3A_19 = arith.muli %arg1, %mul3A_18 : i32
    "tpu.region"() ({
      %run_scoped3A = tpu.sem_alloc : memref<!tpu.dma_semaphore, #tpu.memory_space<semaphore_mem>>
      %dma_start3A = arith.constant 0 : i32
      %dma_start3A_20 = tpu.memref_slice %arg5[%arg0, %mul3A_19, %dma_start3A] : memref<2x10112x16xf32, #tpu.memory_space<hbm>> -> memref<1x632x16xf32, #tpu.memory_space<hbm>>
      %dma_start3A_21 = tpu.memref_squeeze %dma_start3A_20 : memref<1x632x16xf32, #tpu.memory_space<hbm>> -> memref<632x16xf32, #tpu.memory_space<hbm>>
      %dma_start3A_22 = arith.constant 0 : i32
      %dma_start3A_23 = tpu.memref_slice %arg5[%arg0, %mul3A_19, %dma_start3A_22] : memref<2x10112x16xf32, #tpu.memory_space<hbm>> -> memref<1x632x16xf32, #tpu.memory_space<hbm>>
      %dma_start3A_24 = tpu.memref_squeeze %dma_start3A_23 : memref<1x632x16xf32, #tpu.memory_space<hbm>> -> memref<632x16xf32, #tpu.memory_space<hbm>>
      tpu.enqueue_dma source(%arg8 : memref<632x16xf32, #tpu.memory_space<vmem>>) target(%dma_start3A_24 : memref<632x16xf32, #tpu.memory_space<hbm>>) target_semaphore(%run_scoped3A : memref<!tpu.dma_semaphore, #tpu.memory_space<semaphore_mem>>)
      %dma_wait3A = arith.constant 0 : i32
      %dma_wait3A_25 = tpu.memref_slice %arg5[%arg0, %mul3A_19, %dma_wait3A] : memref<2x10112x16xf32, #tpu.memory_space<hbm>> -> memref<1x632x16xf32, #tpu.memory_space<hbm>>
      %dma_wait3A_26 = tpu.memref_squeeze %dma_wait3A_25 : memref<1x632x16xf32, #tpu.memory_space<hbm>> -> memref<632x16xf32, #tpu.memory_space<hbm>>
      %dma_wait3A_27 = arith.constant 0 : i32
      %dma_wait3A_28 = tpu.memref_slice %arg5[%arg0, %mul3A_19, %dma_wait3A_27] : memref<2x10112x16xf32, #tpu.memory_space<hbm>> -> memref<1x632x16xf32, #tpu.memory_space<hbm>>
      %dma_wait3A_29 = tpu.memref_squeeze %dma_wait3A_28 : memref<1x632x16xf32, #tpu.memory_space<hbm>> -> memref<632x16xf32, #tpu.memory_space<hbm>>
      tpu.wait_dma2 semaphore(%run_scoped3A : memref<!tpu.dma_semaphore, #tpu.memory_space<semaphore_mem>>) src(%arg8 : memref<632x16xf32, #tpu.memory_space<vmem>>) dst(%dma_wait3A_29 : memref<632x16xf32, #tpu.memory_space<hbm>>)
      tpu.yield
    }) : () -> ()
    return
  }
}

#map = affine_map<(d0, d1) -> (0, 0, 0)>
module attributes {stable_mosaic.version = 14 : i64} {
  func.func @deg_kernel(%arg0: i32, %arg1: i32, %arg2: memref<32x125x80xi32, #tpu.memory_space<hbm>>, %arg3: memref<2x10112x16xf32, #tpu.memory_space<hbm>>, %arg4: memref<125x80xi32, #tpu.memory_space<vmem>>, %arg5: memref<632x16xf32, #tpu.memory_space<vmem>>, %arg6: memref<80x16xf32, #tpu.memory_space<vmem>>, %arg7: memref<10112x16xf32, #tpu.memory_space<vmem_shared>>) attributes {dimension_semantics = [#tpu.dimension_semantics<core_parallel>, #tpu.dimension_semantics<subcore_parallel>], iteration_bounds = array<i64: 2, 16>, scalar_prefetch = 0 : i64, scratch_operands = 4 : i64, tpu.core_type = #tpu.core_type<sc_vector_subcore>, window_params = [{transform_indices = #map}, {transform_indices = #map}]} {
    %mul3A = arith.constant 2 : i32
    %mul3A_0 = arith.muli %arg1, %mul3A : i32
    %add3A = arith.addi %mul3A_0, %arg0 : i32
    "tpu.region"() ({
      %run_scoped3A = tpu.sem_alloc : memref<!tpu.dma_semaphore, #tpu.memory_space<semaphore_mem>>
      %dma_start3A = arith.constant 0 : i32
      %dma_start3A_28 = arith.constant 0 : i32
      %dma_start3A_29 = tpu.memref_slice %arg2[%add3A, %dma_start3A, %dma_start3A_28] : memref<32x125x80xi32, #tpu.memory_space<hbm>> -> memref<1x125x80xi32, #tpu.memory_space<hbm>>
      %dma_start3A_30 = tpu.memref_squeeze %dma_start3A_29 : memref<1x125x80xi32, #tpu.memory_space<hbm>> -> memref<125x80xi32, #tpu.memory_space<hbm>>
      %dma_start3A_31 = arith.constant 0 : i32
      %dma_start3A_32 = arith.constant 0 : i32
      %dma_start3A_33 = tpu.memref_slice %arg2[%add3A, %dma_start3A_31, %dma_start3A_32] : memref<32x125x80xi32, #tpu.memory_space<hbm>> -> memref<1x125x80xi32, #tpu.memory_space<hbm>>
      %dma_start3A_34 = tpu.memref_squeeze %dma_start3A_33 : memref<1x125x80xi32, #tpu.memory_space<hbm>> -> memref<125x80xi32, #tpu.memory_space<hbm>>
      tpu.enqueue_dma source(%dma_start3A_34 : memref<125x80xi32, #tpu.memory_space<hbm>>) target(%arg4 : memref<125x80xi32, #tpu.memory_space<vmem>>) target_semaphore(%run_scoped3A : memref<!tpu.dma_semaphore, #tpu.memory_space<semaphore_mem>>)
      %dma_wait3A = arith.constant 0 : i32
      %dma_wait3A_35 = arith.constant 0 : i32
      %dma_wait3A_36 = tpu.memref_slice %arg2[%add3A, %dma_wait3A, %dma_wait3A_35] : memref<32x125x80xi32, #tpu.memory_space<hbm>> -> memref<1x125x80xi32, #tpu.memory_space<hbm>>
      %dma_wait3A_37 = tpu.memref_squeeze %dma_wait3A_36 : memref<1x125x80xi32, #tpu.memory_space<hbm>> -> memref<125x80xi32, #tpu.memory_space<hbm>>
      %dma_wait3A_38 = arith.constant 0 : i32
      %dma_wait3A_39 = arith.constant 0 : i32
      %dma_wait3A_40 = tpu.memref_slice %arg2[%add3A, %dma_wait3A_38, %dma_wait3A_39] : memref<32x125x80xi32, #tpu.memory_space<hbm>> -> memref<1x125x80xi32, #tpu.memory_space<hbm>>
      %dma_wait3A_41 = tpu.memref_squeeze %dma_wait3A_40 : memref<1x125x80xi32, #tpu.memory_space<hbm>> -> memref<125x80xi32, #tpu.memory_space<hbm>>
      tpu.wait_dma2 semaphore(%run_scoped3A : memref<!tpu.dma_semaphore, #tpu.memory_space<semaphore_mem>>) src(%dma_wait3A_41 : memref<125x80xi32, #tpu.memory_space<hbm>>) dst(%arg4 : memref<125x80xi32, #tpu.memory_space<vmem>>)
      tpu.yield
    }) : () -> ()
    %broadcast_in_dim3A = arith.constant 1.000000e+00 : f32
    %broadcast_in_dim3A_1 = vector.broadcast %broadcast_in_dim3A : f32 to vector<16xf32>
    %scan3A = arith.constant 0 : i32
    %scan3A_2 = arith.constant 0 : i32
    %scan3A_3 = arith.constant 80 : i32
    %scan3A_4 = arith.addi %scan3A_2, %scan3A_3 : i32
    %scan3A_5 = arith.constant 1 : i32
    scf.for %scan3A_28 = %scan3A_2 to %scan3A_4 step %scan3A_5  : i32 {
      %swap3A = arith.index_cast %scan3A_28 : i32 to index
      %swap3A_29 = arith.constant 0 : index
      %swap3A_30 = tpu.vector_load %arg6[%swap3A, %swap3A_29] {strides = array<i32>} : memref<80x16xf32, #tpu.memory_space<vmem>>, vector<1x16xf32>,
      %swap3A_31 = vector.shape_cast %swap3A_30 : vector<1x16xf32> to vector<16xf32>
      %swap3A_32 = vector.shape_cast %broadcast_in_dim3A_1 : vector<16xf32> to vector<1x16xf32>
      tpu.vector_store %arg6[%swap3A, %swap3A_29], %swap3A_32 {strides = array<i32>} : memref<80x16xf32, #tpu.memory_space<vmem>>, vector<1x16xf32>,
    }
    %scan3A_6 = arith.constant 80 : i32
    %broadcast_in_dim3A_7 = arith.constant 0.000000e+00 : f32
    %broadcast_in_dim3A_8 = vector.broadcast %broadcast_in_dim3A_7 : f32 to vector<16xf32>
    %scan3A_9 = arith.constant 0 : i32
    %scan3A_10 = arith.constant 0 : i32
    %scan3A_11 = arith.constant 632 : i32
    %scan3A_12 = arith.addi %scan3A_10, %scan3A_11 : i32
    %scan3A_13 = arith.constant 1 : i32
    scf.for %scan3A_28 = %scan3A_10 to %scan3A_12 step %scan3A_13  : i32 {
      %swap3A = arith.index_cast %scan3A_28 : i32 to index
      %swap3A_29 = arith.constant 0 : index
      %swap3A_30 = tpu.vector_load %arg5[%swap3A, %swap3A_29] {strides = array<i32>} : memref<632x16xf32, #tpu.memory_space<vmem>>, vector<1x16xf32>,
      %swap3A_31 = vector.shape_cast %swap3A_30 : vector<1x16xf32> to vector<16xf32>
      %swap3A_32 = vector.shape_cast %broadcast_in_dim3A_8 : vector<16xf32> to vector<1x16xf32>
      tpu.vector_store %arg5[%swap3A, %swap3A_29], %swap3A_32 {strides = array<i32>} : memref<632x16xf32, #tpu.memory_space<vmem>>, vector<1x16xf32>,
    }
    %scan3A_14 = arith.constant 632 : i32
    %mul3A_15 = arith.constant 632 : i32
    %mul3A_16 = arith.muli %arg1, %mul3A_15 : i32
    "tpu.region"() ({
      %run_scoped3A = tpu.sem_alloc : memref<!tpu.dma_semaphore, #tpu.memory_space<semaphore_mem>>
      %dma_start3A = arith.constant 0 : i32
      %dma_start3A_28 = tpu.memref_slice %arg7[%mul3A_16, %dma_start3A] : memref<10112x16xf32, #tpu.memory_space<vmem_shared>> -> memref<632x16xf32, #tpu.memory_space<vmem_shared>>
      %dma_start3A_29 = arith.constant 0 : i32
      %dma_start3A_30 = tpu.memref_slice %arg7[%mul3A_16, %dma_start3A_29] : memref<10112x16xf32, #tpu.memory_space<vmem_shared>> -> memref<632x16xf32, #tpu.memory_space<vmem_shared>>
      tpu.enqueue_dma source(%arg5 : memref<632x16xf32, #tpu.memory_space<vmem>>) target(%dma_start3A_30 : memref<632x16xf32, #tpu.memory_space<vmem_shared>>) target_semaphore(%run_scoped3A : memref<!tpu.dma_semaphore, #tpu.memory_space<semaphore_mem>>)
      %dma_wait3A = arith.constant 0 : i32
      %dma_wait3A_31 = tpu.memref_slice %arg7[%mul3A_16, %dma_wait3A] : memref<10112x16xf32, #tpu.memory_space<vmem_shared>> -> memref<632x16xf32, #tpu.memory_space<vmem_shared>>
      %dma_wait3A_32 = arith.constant 0 : i32
      %dma_wait3A_33 = tpu.memref_slice %arg7[%mul3A_16, %dma_wait3A_32] : memref<10112x16xf32, #tpu.memory_space<vmem_shared>> -> memref<632x16xf32, #tpu.memory_space<vmem_shared>>
      tpu.wait_dma2 semaphore(%run_scoped3A : memref<!tpu.dma_semaphore, #tpu.memory_space<semaphore_mem>>) src(%arg5 : memref<632x16xf32, #tpu.memory_space<vmem>>) dst(%dma_wait3A_33 : memref<632x16xf32, #tpu.memory_space<vmem_shared>>)
      tpu.yield
    }) : () -> ()
    %barrier3A = arith.constant 0 : index
    tpu.barrier barrier_id(%barrier3A)
    %scan3A_17 = arith.constant 0 : i32
    %scan3A_18 = arith.constant 0 : i32
    %scan3A_19 = arith.constant 125 : i32
    %scan3A_20 = arith.addi %scan3A_18, %scan3A_19 : i32
    %scan3A_21 = arith.constant 1 : i32
    scf.for %scan3A_28 = %scan3A_18 to %scan3A_20 step %scan3A_21  : i32 {
      "tpu.region"() ({
        %run_scoped3A = tpu.sem_alloc : memref<!tpu.dma_semaphore, #tpu.memory_space<semaphore_mem>>
        %dma_start3A = arith.constant 0 : i32
        %dma_start3A_29 = tpu.memref_slice %arg4[%scan3A_28, %dma_start3A] : memref<125x80xi32, #tpu.memory_space<vmem>> -> memref<1x80xi32, #tpu.memory_space<vmem>>
        %dma_start3A_30 = tpu.memref_squeeze %dma_start3A_29 : memref<1x80xi32, #tpu.memory_space<vmem>> -> memref<80xi32, #tpu.memory_space<vmem>>
        %dma_start3A_31 = arith.constant 0 : i32
        %dma_start3A_32 = arith.constant 0 : i32
        %dma_start3A_33 = tpu.memref_slice %arg7[%dma_start3A_31, %dma_start3A_32] : memref<10112x16xf32, #tpu.memory_space<vmem_shared>> -> memref<10112x16xf32, #tpu.memory_space<vmem_shared>>
        tpu.enqueue_indirect_dma source(%arg6 : memref<80x16xf32, #tpu.memory_space<vmem>>) target(%dma_start3A_33 : memref<10112x16xf32, #tpu.memory_space<vmem_shared>>) offsets(%dma_start3A_30 : memref<80xi32, #tpu.memory_space<vmem>>) semaphore(%run_scoped3A : memref<!tpu.dma_semaphore, #tpu.memory_space<semaphore_mem>>) {add = true}
        %dma_wait3A = arith.constant 0 : i32
        %dma_wait3A_34 = tpu.memref_slice %arg4[%scan3A_28, %dma_wait3A] : memref<125x80xi32, #tpu.memory_space<vmem>> -> memref<1x80xi32, #tpu.memory_space<vmem>>
        %dma_wait3A_35 = tpu.memref_squeeze %dma_wait3A_34 : memref<1x80xi32, #tpu.memory_space<vmem>> -> memref<80xi32, #tpu.memory_space<vmem>>
        %dma_wait3A_36 = arith.constant 0 : i32
        %dma_wait3A_37 = arith.constant 0 : i32
        %dma_wait3A_38 = tpu.memref_slice %arg7[%dma_wait3A_36, %dma_wait3A_37] : memref<10112x16xf32, #tpu.memory_space<vmem_shared>> -> memref<10112x16xf32, #tpu.memory_space<vmem_shared>>
        tpu.wait_indirect_dma semaphore(%run_scoped3A : memref<!tpu.dma_semaphore, #tpu.memory_space<semaphore_mem>>) src(%arg6 : memref<80x16xf32, #tpu.memory_space<vmem>>) dst(%dma_wait3A_38 : memref<10112x16xf32, #tpu.memory_space<vmem_shared>>)
        tpu.yield
      }) : () -> ()
    }
    %scan3A_22 = arith.constant 125 : i32
    %barrier3A_23 = arith.constant 0 : index
    tpu.barrier barrier_id(%barrier3A_23)
    %mul3A_24 = arith.constant 632 : i32
    %mul3A_25 = arith.muli %arg1, %mul3A_24 : i32
    "tpu.region"() ({
      %run_scoped3A = tpu.sem_alloc : memref<!tpu.dma_semaphore, #tpu.memory_space<semaphore_mem>>
      %dma_start3A = arith.constant 0 : i32
      %dma_start3A_28 = tpu.memref_slice %arg7[%mul3A_25, %dma_start3A] : memref<10112x16xf32, #tpu.memory_space<vmem_shared>> -> memref<632x16xf32, #tpu.memory_space<vmem_shared>>
      %dma_start3A_29 = arith.constant 0 : i32
      %dma_start3A_30 = tpu.memref_slice %arg7[%mul3A_25, %dma_start3A_29] : memref<10112x16xf32, #tpu.memory_space<vmem_shared>> -> memref<632x16xf32, #tpu.memory_space<vmem_shared>>
      tpu.enqueue_dma source(%dma_start3A_30 : memref<632x16xf32, #tpu.memory_space<vmem_shared>>) target(%arg5 : memref<632x16xf32, #tpu.memory_space<vmem>>) target_semaphore(%run_scoped3A : memref<!tpu.dma_semaphore, #tpu.memory_space<semaphore_mem>>)
      %dma_wait3A = arith.constant 0 : i32
      %dma_wait3A_31 = tpu.memref_slice %arg7[%mul3A_25, %dma_wait3A] : memref<10112x16xf32, #tpu.memory_space<vmem_shared>> -> memref<632x16xf32, #tpu.memory_space<vmem_shared>>
      %dma_wait3A_32 = arith.constant 0 : i32
      %dma_wait3A_33 = tpu.memref_slice %arg7[%mul3A_25, %dma_wait3A_32] : memref<10112x16xf32, #tpu.memory_space<vmem_shared>> -> memref<632x16xf32, #tpu.memory_space<vmem_shared>>
      tpu.wait_dma2 semaphore(%run_scoped3A : memref<!tpu.dma_semaphore, #tpu.memory_space<semaphore_mem>>) src(%dma_wait3A_33 : memref<632x16xf32, #tpu.memory_space<vmem_shared>>) dst(%arg5 : memref<632x16xf32, #tpu.memory_space<vmem>>)
      tpu.yield
    }) : () -> ()
    %mul3A_26 = arith.constant 632 : i32
    %mul3A_27 = arith.muli %arg1, %mul3A_26 : i32
    "tpu.region"() ({
      %run_scoped3A = tpu.sem_alloc : memref<!tpu.dma_semaphore, #tpu.memory_space<semaphore_mem>>
      %dma_start3A = arith.constant 0 : i32
      %dma_start3A_28 = tpu.memref_slice %arg3[%arg0, %mul3A_27, %dma_start3A] : memref<2x10112x16xf32, #tpu.memory_space<hbm>> -> memref<1x632x16xf32, #tpu.memory_space<hbm>>
      %dma_start3A_29 = tpu.memref_squeeze %dma_start3A_28 : memref<1x632x16xf32, #tpu.memory_space<hbm>> -> memref<632x16xf32, #tpu.memory_space<hbm>>
      %dma_start3A_30 = arith.constant 0 : i32
      %dma_start3A_31 = tpu.memref_slice %arg3[%arg0, %mul3A_27, %dma_start3A_30] : memref<2x10112x16xf32, #tpu.memory_space<hbm>> -> memref<1x632x16xf32, #tpu.memory_space<hbm>>
      %dma_start3A_32 = tpu.memref_squeeze %dma_start3A_31 : memref<1x632x16xf32, #tpu.memory_space<hbm>> -> memref<632x16xf32, #tpu.memory_space<hbm>>
      tpu.enqueue_dma source(%arg5 : memref<632x16xf32, #tpu.memory_space<vmem>>) target(%dma_start3A_32 : memref<632x16xf32, #tpu.memory_space<hbm>>) target_semaphore(%run_scoped3A : memref<!tpu.dma_semaphore, #tpu.memory_space<semaphore_mem>>)
      %dma_wait3A = arith.constant 0 : i32
      %dma_wait3A_33 = tpu.memref_slice %arg3[%arg0, %mul3A_27, %dma_wait3A] : memref<2x10112x16xf32, #tpu.memory_space<hbm>> -> memref<1x632x16xf32, #tpu.memory_space<hbm>>
      %dma_wait3A_34 = tpu.memref_squeeze %dma_wait3A_33 : memref<1x632x16xf32, #tpu.memory_space<hbm>> -> memref<632x16xf32, #tpu.memory_space<hbm>>
      %dma_wait3A_35 = arith.constant 0 : i32
      %dma_wait3A_36 = tpu.memref_slice %arg3[%arg0, %mul3A_27, %dma_wait3A_35] : memref<2x10112x16xf32, #tpu.memory_space<hbm>> -> memref<1x632x16xf32, #tpu.memory_space<hbm>>
      %dma_wait3A_37 = tpu.memref_squeeze %dma_wait3A_36 : memref<1x632x16xf32, #tpu.memory_space<hbm>> -> memref<632x16xf32, #tpu.memory_space<hbm>>
      tpu.wait_dma2 semaphore(%run_scoped3A : memref<!tpu.dma_semaphore, #tpu.memory_space<semaphore_mem>>) src(%arg5 : memref<632x16xf32, #tpu.memory_space<vmem>>) dst(%dma_wait3A_37 : memref<632x16xf32, #tpu.memory_space<hbm>>)
      tpu.yield
    }) : () -> ()
    return
  }
}

module attributes {stable_mosaic.version = 14 : i64} {
  func.func @_tc1_body(%arg0: i32, %arg1: memref<2x1000x16xf32, #tpu.memory_space<vmem>>, %arg2: memref<1000x128xf32, #tpu.memory_space<vmem>>, %arg3: memref<128x16xf32, #tpu.memory_space<vmem>>, %arg4: memref<1000x16xf32, #tpu.memory_space<vmem>>, %arg5: memref<1000x16xf32, #tpu.memory_space<vmem>>) attributes {dimension_semantics = [#tpu.dimension_semantics<arbitrary>], iteration_bounds = array<i64: 10>, scalar_prefetch = 0 : i64, scratch_operands = 0 : i64, tpu.core_type = #tpu.core_type<tc>, window_params = [{transform_indices = @transform_0, window_bounds = array<i64: 2, 1000, 16>}, {transform_indices = @transform_1, window_bounds = array<i64: 1000, 128>}, {pipeline_mode = #tpu.pipeline_mode<synchronous>, transform_indices = @transform_2, window_bounds = array<i64: 128, 16>}, {transform_indices = @transform_3, window_bounds = array<i64: 1000, 16>}, {transform_indices = @transform_4, window_bounds = array<i64: 1000, 16>}]} {
    %get3A = arith.constant 0 : index
    %get3A_0 = arith.constant 0 : index
    %get3A_1 = arith.constant 0 : index
    %get3A_2 = vector.load %arg1[%get3A, %get3A_0, %get3A_1] : memref<2x1000x16xf32, #tpu.memory_space<vmem>>, vector<1x1000x16xf32>
    %get3A_3 = vector.shape_cast %get3A_2 : vector<1x1000x16xf32> to vector<1000x16xf32>
    %get3A_4 = arith.constant 1 : index
    %get3A_5 = arith.constant 0 : index
    %get3A_6 = arith.constant 0 : index
    %get3A_7 = vector.load %arg1[%get3A_4, %get3A_5, %get3A_6] : memref<2x1000x16xf32, #tpu.memory_space<vmem>>, vector<1x1000x16xf32>
    %get3A_8 = vector.shape_cast %get3A_7 : vector<1x1000x16xf32> to vector<1000x16xf32>
    %add3A = arith.addf %get3A_3, %get3A_8 : vector<1000x16xf32>
    %add3A_9 = arith.constant 1.000000e+00 : f32
    %add3A_10 = vector.broadcast %add3A_9 : f32 to vector<1000x16xf32>
    %add3A_11 = arith.addf %add3A, %add3A_10 : vector<1000x16xf32>
    %rsqrt3A = math.rsqrt %add3A_11 : vector<1000x16xf32>
    %get3A_12 = arith.constant 0 : index
    %get3A_13 = arith.constant 0 : index
    %get3A_14 = vector.load %arg2[%get3A_12, %get3A_13] : memref<1000x128xf32, #tpu.memory_space<vmem>>, vector<1000x128xf32>
    %get3A_15 = arith.constant 0 : index
    %get3A_16 = arith.constant 0 : index
    %get3A_17 = vector.load %arg3[%get3A_15, %get3A_16] : memref<128x16xf32, #tpu.memory_space<vmem>>, vector<128x16xf32>
    %dot_general3A = arith.constant dense<0.000000e+00> : vector<1000x16xf32>
    %dot_general3A_18 = tpu.matmul %get3A_14, %get3A_17, %dot_general3A {dimension_numbers = #tpu.dot_dimension_numbers<[1], [0], [0], [1], [0, 0, 1, 1], [], []>, transpose_lhs_hint = false} : vector<1000x128xf32>, vector<128x16xf32>, vector<1000x16xf32> -> vector<1000x16xf32>
    %mul3A = arith.mulf %dot_general3A_18, %rsqrt3A : vector<1000x16xf32>
    %swap3A = arith.constant 0 : index
    %swap3A_19 = arith.constant 0 : index
    %swap3A_20 = vector.load %arg4[%swap3A, %swap3A_19] : memref<1000x16xf32, #tpu.memory_space<vmem>>, vector<1000x16xf32>
    tpu.vector_store %arg4[%swap3A, %swap3A_19], %mul3A {strides = array<i32>} : memref<1000x16xf32, #tpu.memory_space<vmem>>, vector<1000x16xf32>,
    %swap3A_21 = arith.constant 0 : index
    %swap3A_22 = arith.constant 0 : index
    %swap3A_23 = vector.load %arg5[%swap3A_21, %swap3A_22] : memref<1000x16xf32, #tpu.memory_space<vmem>>, vector<1000x16xf32>
    tpu.vector_store %arg5[%swap3A_21, %swap3A_22], %rsqrt3A {strides = array<i32>} : memref<1000x16xf32, #tpu.memory_space<vmem>>, vector<1000x16xf32>,
    return
  }
  func.func @transform_0(%arg0: i32) -> (i32, i32, i32) {
    %c0_i32 = arith.constant 0 : i32
    %c0_i32_0 = arith.constant 0 : i32
    %c0_i32_1 = arith.constant 0 : i32
    return %c0_i32, %arg0, %c0_i32_0 : i32, i32, i32
  }
  func.func @transform_1(%arg0: i32) -> (i32, i32) {
    %c0_i32 = arith.constant 0 : i32
    %c0_i32_0 = arith.constant 0 : i32
    return %arg0, %c0_i32 : i32, i32
  }
  func.func @transform_2(%arg0: i32) -> (i32, i32) {
    %c0_i32 = arith.constant 0 : i32
    %c0_i32_0 = arith.constant 0 : i32
    %c0_i32_1 = arith.constant 0 : i32
    return %c0_i32, %c0_i32_0 : i32, i32
  }
  func.func @transform_3(%arg0: i32) -> (i32, i32) {
    %c0_i32 = arith.constant 0 : i32
    %c0_i32_0 = arith.constant 0 : i32
    return %arg0, %c0_i32 : i32, i32
  }
  func.func @transform_4(%arg0: i32) -> (i32, i32) {
    %c0_i32 = arith.constant 0 : i32
    %c0_i32_0 = arith.constant 0 : i32
    return %arg0, %c0_i32 : i32, i32
  }
}

module attributes {stable_mosaic.version = 14 : i64} {
  func.func @_tc2_body(%arg0: i32, %arg1: memref<2x1000x16xf32, #tpu.memory_space<vmem>>, %arg2: memref<1000x16xf32, #tpu.memory_space<vmem>>, %arg3: memref<1000x16xf32, #tpu.memory_space<vmem>>, %arg4: memref<1x16xf32, #tpu.memory_space<vmem>>, %arg5: memref<1000x16xf32, #tpu.memory_space<vmem>>) attributes {dimension_semantics = [#tpu.dimension_semantics<arbitrary>], iteration_bounds = array<i64: 10>, scalar_prefetch = 0 : i64, scratch_operands = 0 : i64, tpu.core_type = #tpu.core_type<tc>, window_params = [{transform_indices = @transform_0, window_bounds = array<i64: 2, 1000, 16>}, {transform_indices = @transform_1, window_bounds = array<i64: 1000, 16>}, {transform_indices = @transform_2, window_bounds = array<i64: 1000, 16>}, {pipeline_mode = #tpu.pipeline_mode<synchronous>, transform_indices = @transform_3, window_bounds = array<i64: 1, 16>}, {transform_indices = @transform_4, window_bounds = array<i64: 1000, 16>}]} {
    %get3A = arith.constant 0 : index
    %get3A_0 = arith.constant 0 : index
    %get3A_1 = arith.constant 0 : index
    %get3A_2 = vector.load %arg1[%get3A, %get3A_0, %get3A_1] : memref<2x1000x16xf32, #tpu.memory_space<vmem>>, vector<1x1000x16xf32>
    %get3A_3 = vector.shape_cast %get3A_2 : vector<1x1000x16xf32> to vector<1000x16xf32>
    %get3A_4 = arith.constant 1 : index
    %get3A_5 = arith.constant 0 : index
    %get3A_6 = arith.constant 0 : index
    %get3A_7 = vector.load %arg1[%get3A_4, %get3A_5, %get3A_6] : memref<2x1000x16xf32, #tpu.memory_space<vmem>>, vector<1x1000x16xf32>
    %get3A_8 = vector.shape_cast %get3A_7 : vector<1x1000x16xf32> to vector<1000x16xf32>
    %add3A = arith.addf %get3A_3, %get3A_8 : vector<1000x16xf32>
    %get3A_9 = arith.constant 0 : index
    %get3A_10 = arith.constant 0 : index
    %get3A_11 = vector.load %arg2[%get3A_9, %get3A_10] : memref<1000x16xf32, #tpu.memory_space<vmem>>, vector<1000x16xf32>
    %add3A_12 = arith.addf %add3A, %get3A_11 : vector<1000x16xf32>
    %get3A_13 = arith.constant 0 : index
    %get3A_14 = arith.constant 0 : index
    %get3A_15 = vector.load %arg3[%get3A_13, %get3A_14] : memref<1000x16xf32, #tpu.memory_space<vmem>>, vector<1000x16xf32>
    %mul3A = arith.mulf %add3A_12, %get3A_15 : vector<1000x16xf32>
    %get3A_16 = arith.constant 0 : index
    %get3A_17 = arith.constant 0 : index
    %get3A_18 = vector.load %arg4[%get3A_16, %get3A_17] : memref<1x16xf32, #tpu.memory_space<vmem>>, vector<1x16xf32>
    %add3A_19 = vector.broadcast %get3A_18 : vector<1x16xf32> to vector<1000x16xf32>
    %add3A_20 = arith.addf %mul3A, %add3A_19 : vector<1000x16xf32>
    %max3A = arith.constant 0.000000e+00 : f32
    %max3A_21 = vector.broadcast %max3A : f32 to vector<1000x16xf32>
    %max3A_22 = arith.maximumf %add3A_20, %max3A_21 : vector<1000x16xf32>
    %get3A_23 = arith.constant 0 : index
    %get3A_24 = arith.constant 0 : index
    %get3A_25 = vector.load %arg3[%get3A_23, %get3A_24] : memref<1000x16xf32, #tpu.memory_space<vmem>>, vector<1000x16xf32>
    %mul3A_26 = arith.mulf %max3A_22, %get3A_25 : vector<1000x16xf32>
    %swap3A = arith.constant 0 : index
    %swap3A_27 = arith.constant 0 : index
    %swap3A_28 = vector.load %arg5[%swap3A, %swap3A_27] : memref<1000x16xf32, #tpu.memory_space<vmem>>, vector<1000x16xf32>
    tpu.vector_store %arg5[%swap3A, %swap3A_27], %mul3A_26 {strides = array<i32>} : memref<1000x16xf32, #tpu.memory_space<vmem>>, vector<1000x16xf32>,
    return
  }
  func.func @transform_0(%arg0: i32) -> (i32, i32, i32) {
    %c0_i32 = arith.constant 0 : i32
    %c0_i32_0 = arith.constant 0 : i32
    %c0_i32_1 = arith.constant 0 : i32
    return %c0_i32, %arg0, %c0_i32_0 : i32, i32, i32
  }
  func.func @transform_1(%arg0: i32) -> (i32, i32) {
    %c0_i32 = arith.constant 0 : i32
    %c0_i32_0 = arith.constant 0 : i32
    return %arg0, %c0_i32 : i32, i32
  }
  func.func @transform_2(%arg0: i32) -> (i32, i32) {
    %c0_i32 = arith.constant 0 : i32
    %c0_i32_0 = arith.constant 0 : i32
    return %arg0, %c0_i32 : i32, i32
  }
  func.func @transform_3(%arg0: i32) -> (i32, i32) {
    %c0_i32 = arith.constant 0 : i32
    %c0_i32_0 = arith.constant 0 : i32
    %c0_i32_1 = arith.constant 0 : i32
    return %c0_i32, %c0_i32_0 : i32, i32
  }
  func.func @transform_4(%arg0: i32) -> (i32, i32) {
    %c0_i32 = arith.constant 0 : i32
    %c0_i32_0 = arith.constant 0 : i32
    return %arg0, %c0_i32 : i32, i32
  }
}

module attributes {stable_mosaic.version = 14 : i64} {
  func.func @_tc3_body(%arg0: i32, %arg1: memref<2x1000x16xf32, #tpu.memory_space<vmem>>, %arg2: memref<1000x16xf32, #tpu.memory_space<vmem>>, %arg3: memref<1000x16xf32, #tpu.memory_space<vmem>>, %arg4: memref<16x47xf32, #tpu.memory_space<vmem>>, %arg5: memref<1x47xf32, #tpu.memory_space<vmem>>, %arg6: memref<1000x47xf32, #tpu.memory_space<vmem>>) attributes {dimension_semantics = [#tpu.dimension_semantics<arbitrary>], iteration_bounds = array<i64: 10>, scalar_prefetch = 0 : i64, scratch_operands = 0 : i64, tpu.core_type = #tpu.core_type<tc>, window_params = [{transform_indices = @transform_0, window_bounds = array<i64: 2, 1000, 16>}, {transform_indices = @transform_1, window_bounds = array<i64: 1000, 16>}, {transform_indices = @transform_2, window_bounds = array<i64: 1000, 16>}, {pipeline_mode = #tpu.pipeline_mode<synchronous>, transform_indices = @transform_3, window_bounds = array<i64: 16, 47>}, {pipeline_mode = #tpu.pipeline_mode<synchronous>, transform_indices = @transform_4, window_bounds = array<i64: 1, 47>}, {transform_indices = @transform_5, window_bounds = array<i64: 1000, 47>}]} {
    %get3A = arith.constant 0 : index
    %get3A_0 = arith.constant 0 : index
    %get3A_1 = arith.constant 0 : index
    %get3A_2 = vector.load %arg1[%get3A, %get3A_0, %get3A_1] : memref<2x1000x16xf32, #tpu.memory_space<vmem>>, vector<1x1000x16xf32>
    %get3A_3 = vector.shape_cast %get3A_2 : vector<1x1000x16xf32> to vector<1000x16xf32>
    %get3A_4 = arith.constant 1 : index
    %get3A_5 = arith.constant 0 : index
    %get3A_6 = arith.constant 0 : index
    %get3A_7 = vector.load %arg1[%get3A_4, %get3A_5, %get3A_6] : memref<2x1000x16xf32, #tpu.memory_space<vmem>>, vector<1x1000x16xf32>
    %get3A_8 = vector.shape_cast %get3A_7 : vector<1x1000x16xf32> to vector<1000x16xf32>
    %add3A = arith.addf %get3A_3, %get3A_8 : vector<1000x16xf32>
    %get3A_9 = arith.constant 0 : index
    %get3A_10 = arith.constant 0 : index
    %get3A_11 = vector.load %arg2[%get3A_9, %get3A_10] : memref<1000x16xf32, #tpu.memory_space<vmem>>, vector<1000x16xf32>
    %add3A_12 = arith.addf %add3A, %get3A_11 : vector<1000x16xf32>
    %get3A_13 = arith.constant 0 : index
    %get3A_14 = arith.constant 0 : index
    %get3A_15 = vector.load %arg3[%get3A_13, %get3A_14] : memref<1000x16xf32, #tpu.memory_space<vmem>>, vector<1000x16xf32>
    %mul3A = arith.mulf %add3A_12, %get3A_15 : vector<1000x16xf32>
    %get3A_16 = arith.constant 0 : index
    %get3A_17 = arith.constant 0 : index
    %get3A_18 = vector.load %arg4[%get3A_16, %get3A_17] : memref<16x47xf32, #tpu.memory_space<vmem>>, vector<16x47xf32>
    %dot_general3A = arith.constant dense<0.000000e+00> : vector<1000x47xf32>
    %dot_general3A_19 = tpu.matmul %mul3A, %get3A_18, %dot_general3A {dimension_numbers = #tpu.dot_dimension_numbers<[1], [0], [0], [1], [0, 0, 1, 1], [], []>, transpose_lhs_hint = false} : vector<1000x16xf32>, vector<16x47xf32>, vector<1000x47xf32> -> vector<1000x47xf32>
    %get3A_20 = arith.constant 0 : index
    %get3A_21 = arith.constant 0 : index
    %get3A_22 = vector.load %arg5[%get3A_20, %get3A_21] : memref<1x47xf32, #tpu.memory_space<vmem>>, vector<1x47xf32>
    %add3A_23 = vector.broadcast %get3A_22 : vector<1x47xf32> to vector<1000x47xf32>
    %add3A_24 = arith.addf %dot_general3A_19, %add3A_23 : vector<1000x47xf32>
    %reduce_max3A = arith.constant dense<0xFF800000> : vector<1000xf32>
    %reduce_max3A_25 = vector.multi_reduction <maximumf>, %add3A_24, %reduce_max3A [1] : vector<1000x47xf32> to vector<1000xf32>
    %broadcast_in_dim3A = vector.shape_cast %reduce_max3A_25 : vector<1000xf32> to vector<1000x1xf32>
    %sub3A = vector.broadcast %broadcast_in_dim3A : vector<1000x1xf32> to vector<1000x47xf32>
    %sub3A_26 = arith.subf %add3A_24, %sub3A : vector<1000x47xf32>
    %exp3A = math.exp %sub3A_26 : vector<1000x47xf32>
    %reduce_sum3A = arith.constant dense<0.000000e+00> : vector<1000xf32>
    %reduce_sum3A_27 = vector.multi_reduction <add>, %exp3A, %reduce_sum3A [1] : vector<1000x47xf32> to vector<1000xf32>
    %broadcast_in_dim3A_28 = vector.shape_cast %reduce_sum3A_27 : vector<1000xf32> to vector<1000x1xf32>
    %log3A = math.log %broadcast_in_dim3A_28 : vector<1000x1xf32>
    %sub3A_29 = vector.broadcast %broadcast_in_dim3A : vector<1000x1xf32> to vector<1000x47xf32>
    %sub3A_30 = arith.subf %add3A_24, %sub3A_29 : vector<1000x47xf32>
    %sub3A_31 = vector.broadcast %log3A : vector<1000x1xf32> to vector<1000x47xf32>
    %sub3A_32 = arith.subf %sub3A_30, %sub3A_31 : vector<1000x47xf32>
    %swap3A = arith.constant 0 : index
    %swap3A_33 = arith.constant 0 : index
    %swap3A_34 = vector.load %arg6[%swap3A, %swap3A_33] : memref<1000x47xf32, #tpu.memory_space<vmem>>, vector<1000x47xf32>
    tpu.vector_store %arg6[%swap3A, %swap3A_33], %sub3A_32 {strides = array<i32>} : memref<1000x47xf32, #tpu.memory_space<vmem>>, vector<1000x47xf32>,
    return
  }
  func.func @transform_0(%arg0: i32) -> (i32, i32, i32) {
    %c0_i32 = arith.constant 0 : i32
    %c0_i32_0 = arith.constant 0 : i32
    %c0_i32_1 = arith.constant 0 : i32
    return %c0_i32, %arg0, %c0_i32_0 : i32, i32, i32
  }
  func.func @transform_1(%arg0: i32) -> (i32, i32) {
    %c0_i32 = arith.constant 0 : i32
    %c0_i32_0 = arith.constant 0 : i32
    return %arg0, %c0_i32 : i32, i32
  }
  func.func @transform_2(%arg0: i32) -> (i32, i32) {
    %c0_i32 = arith.constant 0 : i32
    %c0_i32_0 = arith.constant 0 : i32
    return %arg0, %c0_i32 : i32, i32
  }
  func.func @transform_3(%arg0: i32) -> (i32, i32) {
    %c0_i32 = arith.constant 0 : i32
    %c0_i32_0 = arith.constant 0 : i32
    %c0_i32_1 = arith.constant 0 : i32
    return %c0_i32, %c0_i32_0 : i32, i32
  }
  func.func @transform_4(%arg0: i32) -> (i32, i32) {
    %c0_i32 = arith.constant 0 : i32
    %c0_i32_0 = arith.constant 0 : i32
    %c0_i32_1 = arith.constant 0 : i32
    return %c0_i32, %c0_i32_0 : i32, i32
  }
  func.func @transform_5(%arg0: i32) -> (i32, i32) {
    %c0_i32 = arith.constant 0 : i32
    %c0_i32_0 = arith.constant 0 : i32
    return %arg0, %c0_i32 : i32, i32
  }
}

</mosaic_0001>

<sc_bundles>
// kernel: kernel.11.cloned.1.call-start
scs
__scs_entry_jumppad:
0x0: {  	(pc) =	sbr.rel $0x88, $3  }
0x1: {  	(tag) =	ssettag $0x0;
	lr =	simm.s32 $0x1  }
0x2: {  	[smem:$0x3F9B] =	sst lr;
	_ =	strace $0xD0000000  }
0x3: {  	_ = 	snop  }
0x4: {  	_ = 	snop  }
0x5: {  	_ = 	snop  }
0x6: {  	_ = 	snop  }
0x7: {  	_ = 	snop  }
__scs_overlays_trampoline_lowered:
0x8: {  	[smem:$0x3FAA] =	sst s0  }
0x9: {  	[smem:$0x3FAB] =	sst s1  }
0xa: {  	[smem:$0x3FAC] =	sst s2  }
0xb: {  	[smem:$0x3FAD] =	sst s3  }
0xc: {  	[smem:$0x3FAE] =	sst s4  }
0xd: {  	[smem:$0x3FAF] =	sst s5  }
0xe: {  	[smem:$0x3FB0] =	sst s6  }
0xf: {  	[smem:$0x3FB1] =	sst s7  }
0x10: {  	[smem:$0x3FB2] =	sst s8  }
0x11: {  	[smem:$0x3FB3] =	sst s9;
	s0 =	simm.s32 @!p0 $0x0  }
0x12: {  	s1 =	sld [smem:$0x3F99];
	s0 =	simm.s32 @p0 $0x1  }
0x13: {  	[smem:$0x3FB4] =	sst s0;
	s0 =	simm.s32 @!p1 $0x0  }
0x14: {  	s2 =	sld [smem:$0x3F98];
	s0 =	simm.s32 @p1 $0x1  }
0x15: {  	[smem:$0x3FB5] =	sst s0;
	s0 =	simm.s32 @!p2 $0x0  }
0x16: {  	s3 =	sld [smem:$0x3FDB];
	s0 =	simm.s32 @p2 $0x1  }
0x17: {  	s4 =	simm.s32 $0x1BF5;
	[smem:$0x3FB7] =	sst s0  }
0x18: {  	s0 =	sld [smem:$0x3F9A];
	_ =	swait.ge [sflag:s4], $0x0  }
0x19: {  	s7 =	sld [smem:$0x3F9B]  }
0x1a: {  	s8 =	sadd.s32 $0xFFFFE003, lr  }
0x1b: {  	s9 =	sadd.s32 $0xFFFFFEF7, lr;
	s5 =	simm.s32 $0xFFFFFFFF;
	p2 =	slt.u32 s8, $0xFFFFF086  }
0x1c: {  	p1 =	slt.u32 s9, $0xF7A;
	s5 =	simm.s32 @!p2 $0x0  }
0x1d: {  	s5 =	simm.s32 @p1 $0x1;
	p0 =	seq.s32 s7, s2  }
0x1e: {  	s7 =	smul.u32 @!p0 $0xF7A, s2;
	p2 =	seq.s32 @!p0 s5, $0x0  }
0x1f: {  	s9 =	smul.u32 $0xF7A, s1;
	s8 =	simm.s32 @!p0 $0x1BF5;
	p2 =	por !p2, p0  }
0x20: {  	[sflag:s8] =	ssyncset.s32 @!p0 $0xFFFFF086;
	s6 =	sadd.s32 @!p0 s3, s7;
	s7 =	simm.s32 @!p0 $0x108  }
0x21: {  	s3 =	sadd.s32 s3, s9;
	s6 =	sadd.s32 @!p0 $0x88, s6;
	s7 =	simm.s32 @p2 $0x1082  }
0x22: {  	[simem:s7], [sflag:s8] =	dma.local @!p0 [hbm:s6], $0xF7A  }
0x23: {  	s9 =	sor.u32 $0xD0000000, s2;
	s6 =	simm.s32 $0x108;
	_ =	swait.ge @!p0 [sflag:s8], $0x0  }
0x24: {  	s3 =	sadd.s32 $0x88, s3;
	s6 =	simm.s32 @!p1 $0x1082;
	[sflag:s4] =	ssyncset.s32 $0xFFFFF086  }
0x25: {  	[simem:s6], [sflag:s4] =	dma.local [hbm:s3], $0xF7A  }
0x26: {  	[smem:$0x3F9B] =	sst s1;
	(tag) =	ssettag s2;
	_ =	strace s9  }
0x27: {  	s1 =	sld [smem:$0x3FAB]  }
0x28: {  	s2 =	sld [smem:$0x3FAC]  }
0x29: {  	s4 =	sld [smem:$0x3FAE]  }
0x2a: {  	p0 =	seq.s32 s5, $0x0;
	s5 =	sld [smem:$0x3FAF]  }
0x2b: {  	s6 =	sld [smem:$0x3FB0]  }
0x2c: {  	s7 =	sld [smem:$0x3FB1]  }
0x2d: {  	s3 =	simm.s32 $0x108;
	s8 =	sld [smem:$0x3FB2]  }
0x2e: {  	s3 =	simm.s32 @!p0 $0x1082;
	s9 =	sld [smem:$0x3FB3]  }
0x2f: {  	lr =	sadd.s32 s0, s3;
	s0 =	sld [smem:$0x3FAA]  }
0x30: {  	s3 =	sld [smem:$0x3FAD]  }
0x31: {  	[smem:$0x3FB6] =	sst s10  }
0x32: {  	s10 =	sld [smem:$0x3FB4];
	_ =	sdelay $0x3  }
0x33: {  	p0 =	seq.s32 s10, $0x1;
	s10 =	sld [smem:$0x3FB6];
	_ =	sdelay $0x3  }
0x34: {  	[smem:$0x3FB6] =	sst s10  }
0x35: {  	s10 =	sld [smem:$0x3FB5];
	_ =	sdelay $0x3  }
0x36: {  	p1 =	seq.s32 s10, $0x1;
	s10 =	sld [smem:$0x3FB6];
	_ =	sdelay $0x3  }
0x37: {  	[smem:$0x3FB6] =	sst s10  }
0x38: {  	s10 =	sld [smem:$0x3FB7]  }
0x39: {  	_ = 	snop;
	(pc) =	sbr.ind lr, $3  }
0x3a: {  	_ = 	snop  }
0x3b: {  	_ = 	snop  }
0x3c: {  	p2 =	seq.s32 s10, $0x1;
	s10 =	sld [smem:$0x3FB6]  }
0x3d: {  	_ =	shalt  }
0x3e: {  	_ =	shalt  }
0x3f: {  	_ =	shalt  }
0x40: {  	_ =	shalt  }
0x41: {  	_ =	shalt  }
0x42: {  	_ =	shalt  }
0x43: {  	_ =	shalt  }
0x44: {  	_ =	shalt  }
0x45: {  	_ =	shalt  }
0x46: {  	_ =	shalt  }
0x47: {  	_ =	shalt  }
0x48: {  	_ =	shalt  }
0x49: {  	_ =	shalt  }
0x4a: {  	_ =	shalt  }
0x4b: {  	_ =	shalt  }
0x4c: {  	_ =	shalt  }
0x4d: {  	_ =	shalt  }
0x4e: {  	_ =	shalt  }
0x4f: {  	_ =	shalt  }
0x50: {  	_ =	shalt  }
0x51: {  	_ =	shalt  }
0x52: {  	_ =	shalt  }
0x53: {  	_ =	shalt  }
0x54: {  	_ =	shalt  }
0x55: {  	_ =	shalt  }
0x56: {  	_ =	shalt  }
0x57: {  	_ =	shalt  }
0x58: {  	_ =	shalt  }
0x59: {  	_ =	shalt  }
0x5a: {  	_ =	shalt  }
0x5b: {  	_ =	shalt  }
0x5c: {  	_ =	shalt  }
0x5d: {  	_ =	shalt  }
0x5e: {  	_ =	shalt  }
0x5f: {  	_ =	shalt  }
0x60: {  	_ =	shalt  }
0x61: {  	_ =	shalt  }
0x62: {  	_ =	shalt  }
0x63: {  	_ =	shalt  }
0x64: {  	_ =	shalt  }
0x65: {  	_ =	shalt  }
0x66: {  	_ =	shalt  }
0x67: {  	_ =	shalt  }
0x68: {  	_ =	shalt  }
0x69: {  	_ =	shalt  }
0x6a: {  	_ =	shalt  }
0x6b: {  	_ =	shalt  }
0x6c: {  	_ =	shalt  }
0x6d: {  	_ =	shalt  }
0x6e: {  	_ =	shalt  }
0x6f: {  	_ =	shalt  }
0x70: {  	_ =	shalt  }
0x71: {  	_ =	shalt  }
0x72: {  	_ =	shalt  }
0x73: {  	_ =	shalt  }
0x74: {  	_ =	shalt  }
0x75: {  	_ =	shalt  }
0x76: {  	_ =	shalt  }
0x77: {  	_ =	shalt  }
0x78: {  	_ =	shalt  }
0x79: {  	_ =	shalt  }
0x7a: {  	_ =	shalt  }
0x7b: {  	_ =	shalt  }
0x7c: {  	_ =	shalt  }
0x7d: {  	_ =	shalt  }
0x7e: {  	_ =	shalt  }
0x7f: {  	_ =	shalt  }
0x80: {  	_ =	shalt  }
0x81: {  	_ =	shalt  }
0x82: {  	_ =	shalt  }
0x83: {  	_ =	shalt  }
0x84: {  	_ =	shalt  }
0x85: {  	_ =	shalt  }
0x86: {  	_ =	shalt  }
0x87: {  	_ =	shalt  }
.Lfunc_end0:
.L_simem_size_0:
called_computation.1_lowered:
.L_overlay_start_0:
0x88: {  	s2 =	sld [smem:$0x3FD9]  }
0x89: {  	s3 =	sld [smem:$0x3FFE];
	_ =	sdelay $0x1  }
0x8a: {  	s1 =	srdreg.scid  }
0x8b: {  	s0 =	sand.u32 $0x1, s1  }
0x8c: {  	s17 =	sshll.u32 s0, $0xA;
	s2 =	sadd.s32 s3, s2  }
0x8d: {  	s2 =	sadd.s32 s2, s17  }
0x8e: {  	[smem:$0x3FC2] =	sst s2  }
0x8f: {  	_ = 	snop  }
0x90: {  	s2 =	sld [smem:$0x3FD0];
	(tm) =	ssettm $0x1  }
0x91: {  	s18 =	sld [smem:$0x3FFB];
	_ =	sdelay $0x3  }
0x92: {  	_ =	strace s18  }
0x93: {  	s3 =	sld [smem:$0x3FFC];
	_ =	sdelay $0x3  }
0x94: {  	_ =	strace s3  }
0x95: {  	s3 =	sld [smem:$0x3FFD];
	_ =	sdelay $0x3  }
0x96: {  	_ =	strace s3  }
0x97: {  	_ =	strace $0x8FFFFFFF  }
0x98: {  	s19 =	sld [smem:$0x3FDB];
	_ =	sdelay $0x1  }
0x99: {  	s4 =	simm.s32 $_scs_section_size  }
0x9a: {  	s5 =	simm.s32 $_size__tile_overlayer_lowered;
	s6 =	simm.s32 $_tile_overlayer_lowered  }
0x9b: {  	s22 =	simm.s32 $0x1BFF;
	s21 =	sshll.u32 s6, $0x1;
	s3 =	sadd.s32 s4, s19  }
0x9c: {  	s7 =	simm.s32 $0x0;
	s20 =	sshll.u32 s5, $0x1;
	s5 =	sadd.s32 s21, s3  }
0x9d: {  	[timem:s7], [sflag:s22] =	dma.local [hbm:s5], s20  }
0x9e: {  	_ =	swait.ge [sflag:s22], s20  }
0x9f: {  	s4 =	ssub.s32 $0x0, s20;
	[sflag:s22] =	ssyncset.done $0x0  }
0xa0: {  	[sflag:s22] =	ssyncadd.s32 s4;
	_ =	sdelay $0x1  }
0xa1: {  	s23 =	simm.s32 $0x1B8B  }
0xa2: {  	_ =	swait.ge [sflag:s23], $0x1  }
0xa3: {  	[sflag:s23] =	ssyncset.done $0x0  }
0xa4: {  	s25 =	simm.s32 $0x1B8E;
	s24 =	sld [smem:$0x3FFE];
	[sflag:s23] =	ssyncadd.s32 $0xFFFFFFFF  }
0xa5: {  	s26 =	simm.s32 $execute0_lowered;
	[smem:$0x3FD2] =	sst s25  }
0xa6: {  	s5 =	sshll.u32 s26, $0x1;
	_ =	strace $0x80000049;
	[dreg:$0x1] =	wrdreg $0xFFFFFFFF  }
0xa7: {  	s28 =	simm.s32 $_size_execute0_lowered;
	s3 =	sadd.s32 s3, s5;
	[dreg:$0x0] =	wrdreg $0x0  }
0xa8: {  	s5 =	sshll.u32 s28, $0x1;
	[dreg:$0x2] =	wrdreg s3  }
0xa9: {  	[dreg:$0x3] =	wrdreg s5  }
0xaa: {  	[dreg:$0x4] =	wrdreg $0xC0  }
0xab: {  	_ =	task [dreg:s7], $0x5FFFF  }
0xac: {  	[dreg:$0x1] =	wrdreg $0xFFFFFFFF  }
0xad: {  	[dreg:$0x0] =	wrdreg $0x60  }
0xae: {  	[dreg:$0x2] =	wrdreg s24  }
0xaf: {  	[dreg:$0x3] =	wrdreg s2  }
0xb0: {  	[dreg:$0x4] =	wrdreg $0x8EA00  }
0xb1: {  	[dreg:$0x5] =	wrdreg $0x9  }
0xb2: {  	_ =	task.clear_ibuf [dreg:s7], $0x6FFFF;
	_ =	strace $0x90000049  }
0xb3: {  	s29 =	simm.s32 $0x9;
	_ =	strace $0x8000004B  }
0xb4: {  	_ =	swait.ge [sflag:s29], $0x1  }
0xb5: {  	[sflag:s29] =	ssyncadd.s32 $0xFFFFFFFF  }
0xb6: {  	_ =	strace $0x9000004B  }
0xb7: {  	_ =	sfence  }
0xb8: {  	s30 =	sld [smem:$0x0];
	_ =	sdelay $0x2  }
0xb9: {  	s31 =	sshll.u32 s1, $0xD;
	s1 =	sshrl.u32 s1, $0x2  }
0xba: {  	s3 =	sand.u32 $0x4000, s31;
	s1 =	sadd.s32 s1, s30  }
0xbb: {  	s0 =	sor.u32 s3, s0;
	s1 =	sshll.u32 s1, $0x11  }
0xbc: {  	s0 =	sor.u32 s1, s0  }
0xbd: {  	s0 =	sadd.s32 $0x8F2B, s0  }
0xbe: {  	[sflag:s0] =	ssyncadd.remote.s32 $0x1  }
0xbf: {  	_ =	sfence.sel $0xFFFF  }
0xc0: {  	[dreg:$0x0] =	wrdreg $0xFFFFFFFF;
	(pc) =	sbr.abs _section_cstart, $3  }
0xc1: {  	[dreg:$0x1] =	wrdreg $0xFFFFFFFF  }
0xc2: {  	_ =	task.clear_ibuf [dreg:s7], $0x2FFFF;
	_ =	strace $0x9FFFFFFF  }
0xc3: {  	(tm) =	ssettm $0x7FFFFFFF  }
tec
execute0_lowered:
.L_overlay_start_1:
0x0: {  	(tag) =	ssettag $0x1  }
0x1: {  	s5 =	rddreg [dreg:$0x0]  }
0x2: {  	s1 =	srdreg.scid;
	s8 =	rddreg [dreg:$0x1]  }
0x3: {  	s0 =	stileid.u32;
	s2 =	rddreg [dreg:$0x2]  }
0x4: {  	s3 =	simm.s32 $0x0;
	s12 =	simm.s32 $0x4E20;
	s13 =	simm.s32 $0x50  }
0x5: {  	s14 =	simm.s32 $0x75A0;
	s15 =	simm.s32 $0x7AA0;
	s16 =	simm.s32 $0x7FA0  }
0x6: {  	s17 =	simm.s32 $0x84A0;
	s18 =	simm.s32 $0x89A0;
	s19 =	simm.s32 $0x1  }
0x7: {  	s6 =	sand.u32 $0x1, s1;
	s30 =	sshll.u32 s0, $0x1;
	s9 =	smul.u32 $0x2780, s0  }
0x8: {  	s20 =	simm.s32 $0x0;
	s1 =	sor.u32 s6, s30;
	s10 =	smul.u32 $0x27800, s6  }
0x9: {  	[smem:$0x7FF] =	sst s3;
	s4 =	sadd.s32 $0x15200, s5;
	s7 =	smul.u32 $0x4E2, s1  }
0xa: {  	s6 =	ssub.s32 $0x2, s6;
	s1 =	rddreg [dreg:$0x3];
	_ =	strace $0x8000004A  }
0xb: {  	s31 =	sshrl.u32 s6, $0x1;
	s10 =	sadd.s32 s9, s10;
	s7 =	sadd.s32 s7, s5  }
0xc: {  	s11 =	ssub.s32 s6, s31;
	s10 =	sshrl.u32 s10, $0x3;
	s5 =	sadd.s32 $0x1600, s7  }
0xd: {  	s6 =	sadd.s32 $0xB400, s7;
	s7 =	sadd.s32 s9, s2;
	s8 =	sadd.s32 s8, s10  }
0xe: {  	v0 =	vimm.f32 $0.0e+00;
	s9 =	smax.u32 s11, $0x1;
	s10 =	simm.s32 $0x2;
	s11 =	simm.s32 $0x2710  }
.LBB2_1:
0xf: {  	[tilespmem:s3], [sflag:$0x2] =	stream.linear.gather [hbm4b:s5+s3], $0x2710, $0x38;
	[tilespmem:$0xB620] =	vst v63  }
0x10: {  	_ =	swait.ge [sflag:s10], $0x2710  }
0x11: {  	[sflag:s10] =	ssyncset.done $0x0  }
0x12: {  	[sflag:s10] =	ssyncadd.s32 $0xFFFFD8F0  }
0x13: {  	[tilespmem:s11], [sflag:$0x2] =	stream.linear.gather [hbm4b:s6+s3], $0x2710, $0x38;
	[tilespmem:$0xB620] =	vst v63  }
0x14: {  	_ =	swait.ge [sflag:s10], $0x2710  }
0x15: {  	[sflag:s10] =	ssyncset.done $0x0  }
0x16: {  	s21 =	simm.s32 $0x40;
	s22 =	simm.s32 $0x0;
	[sflag:s10] =	ssyncadd.s32 $0xFFFFD8F0  }
.LBB2_2:
0x17: {  	p0 =	sne.s32 s21, $0x9DC0;
	[tilespmem:s22+$0x4E20] =	vst v0;
	s22 =	smov.u32 s21;
	s21 =	sadd.s32 $0x40, s21  }
.Ltmp0:
0x18: {  	(pc) =	sbr.rel @p0 .LBB2_2-.Ltmp0, $2  }
0x19: {  	_ =	sdelay $0x2  }
0x1a: {  	s22 =	sshra.s32 s22, $0x2  }
0x1b: {  	[tilespmem:s22+$0x4E20] =	vst v0  }
0x1c: {  	[spmem:s7] =	stream.linear.scatter [tilespmem:s12], [sflag:$0x2], $0x2780, $0x38;
	[tilespmem:$0xB620] =	vst v63  }
0x1d: {  	_ =	swait.ge [sflag:s10], $0x2780  }
0x1e: {  	[sflag:s10] =	ssyncset.done $0x0  }
0x1f: {  	[sflag:s10] =	ssyncadd.s32 $0xFFFFD880  }
0x20: {  	s21 =	simm.s32 $0x0;
	[bflag:$0x0] =	sbarrier.arrive $0xFFFF  }
0x21: {  	[tilespmem:s14], [sflag:$0x1] =	stream.indirect.gather [hbm4b:s4+s13], $0x10, s21, s13, $0xb8;
	[tilespmem:$0xB620] =	vst v63  }
0x22: {  	s22 =	simm.s32 $0x50  }
0x23: {  	[tilespmem:s15], [sflag:$0x1] =	stream.indirect.gather [hbm4b:s4+s13], $0x10, s22, s13, $0xb8;
	[tilespmem:$0xB620] =	vst v63  }
0x24: {  	s23 =	simm.s32 $0xA0  }
0x25: {  	[tilespmem:s16], [sflag:$0x1] =	stream.indirect.gather [hbm4b:s4+s13], $0x10, s23, s13, $0xb8;
	[tilespmem:$0xB620] =	vst v63  }
0x26: {  	s24 =	simm.s32 $0xF0  }
0x27: {  	[tilespmem:s17], [sflag:$0x1] =	stream.indirect.gather [hbm4b:s4+s13], $0x10, s24, s13, $0xb8;
	[tilespmem:$0xB620] =	vst v63  }
0x28: {  	s25 =	simm.s32 $0x140  }
0x29: {  	[tilespmem:s18], [sflag:$0x1] =	stream.indirect.gather [hbm4b:s4+s13], $0x10, s25, s13, $0xb8;
	[tilespmem:$0xB620] =	vst v63  }
0x2a: {  	_ =	swait.ge [sflag:s19], $0x500  }
0x2b: {  	[sflag:s19] =	ssyncset.done $0x0  }
0x2c: {  	[sflag:s19] =	ssyncadd.s32 $0xFFFFFB00  }
0x2d: {  	_ =	swait.ge [sflag:s19], $0x500  }
0x2e: {  	[sflag:s19] =	ssyncset.done $0x0  }
0x2f: {  	[sflag:s19] =	ssyncadd.s32 $0xFFFFFB00  }
0x30: {  	_ =	swait.ge [sflag:s19], $0x500  }
0x31: {  	[sflag:s19] =	ssyncset.done $0x0  }
0x32: {  	[sflag:s19] =	ssyncadd.s32 $0xFFFFFB00  }
0x33: {  	_ =	swait.ge [sflag:s19], $0x500  }
0x34: {  	[sflag:s19] =	ssyncset.done $0x0  }
0x35: {  	[sflag:s19] =	ssyncadd.s32 $0xFFFFFB00  }
0x36: {  	_ =	swait.ge [sflag:s19], $0x500  }
0x37: {  	[sflag:s19] =	ssyncset.done $0x0  }
0x38: {  	s26 =	simm.s32 $0x2710;
	[sflag:s19] =	ssyncadd.s32 $0xFFFFFB00  }
0x39: {  	[spmem:s2] =	stream.indirect.scatter.add.f32 [tilespmem:s14], [sflag:$0x2], $0x10, s26, s13, $0xb8;
	[tilespmem:$0xB620] =	vst v63  }
0x3a: {  	_ =	swait.ge [sflag:s10], $0x500  }
0x3b: {  	[sflag:s10] =	ssyncset.done $0x0  }
0x3c: {  	s28 =	simm.s32 $0x2760;
	[sflag:s10] =	ssyncadd.s32 $0xFFFFFB00  }
0x3d: {  	[spmem:s2] =	stream.indirect.scatter.add.f32 [tilespmem:s15], [sflag:$0x2], $0x10, s28, s13, $0xb8;
	[tilespmem:$0xB620] =	vst v63  }
0x3e: {  	_ =	swait.ge [sflag:s10], $0x500  }
0x3f: {  	[sflag:s10] =	ssyncset.done $0x0  }
0x40: {  	s29 =	simm.s32 $0x27B0;
	[sflag:s10] =	ssyncadd.s32 $0xFFFFFB00  }
0x41: {  	[spmem:s2] =	stream.indirect.scatter.add.f32 [tilespmem:s16], [sflag:$0x2], $0x10, s29, s13, $0xb8;
	[tilespmem:$0xB620] =	vst v63  }
0x42: {  	_ =	swait.ge [sflag:s10], $0x500  }
0x43: {  	[sflag:s10] =	ssyncset.done $0x0  }
0x44: {  	s30 =	simm.s32 $0x2800;
	[sflag:s10] =	ssyncadd.s32 $0xFFFFFB00  }
0x45: {  	[spmem:s2] =	stream.indirect.scatter.add.f32 [tilespmem:s17], [sflag:$0x2], $0x10, s30, s13, $0xb8;
	[tilespmem:$0xB620] =	vst v63  }
0x46: {  	_ =	swait.ge [sflag:s10], $0x500  }
0x47: {  	[sflag:s10] =	ssyncset.done $0x0  }
0x48: {  	s31 =	simm.s32 $0x2850;
	[sflag:s10] =	ssyncadd.s32 $0xFFFFFB00  }
0x49: {  	[spmem:s2] =	stream.indirect.scatter.add.f32 [tilespmem:s18], [sflag:$0x2], $0x10, s31, s13, $0xb8;
	[tilespmem:$0xB620] =	vst v63  }
0x4a: {  	_ =	swait.ge [sflag:s10], $0x500  }
0x4b: {  	s21 =	simm.s32 $0x640;
	s24 =	simm.s32 $0xC80;
	[sflag:s10] =	ssyncset.done $0x0  }
.LBB2_4:
0x4c: {  	s23 =	sshra.s32 s21, $0x2  }
0x4d: {  	[sflag:s10] =	ssyncadd.s32 $0xFFFFFB00;
	s21 =	smov.u32 s24;
	s22 =	sadd.s32 $0x640, s24  }
0x4e: {  	[tilespmem:s14], [sflag:$0x1] =	stream.indirect.gather [hbm4b:s4+s13], $0x10, s23, s13, $0xb8;
	[tilespmem:$0xB620] =	vst v63  }
0x4f: {  	p0 =	sne.s32 s24, $0x9600;
	s24 =	sadd.s32 $0x50, s23  }
0x50: {  	[tilespmem:s15], [sflag:$0x1] =	stream.indirect.gather [hbm4b:s4+s13], $0x10, s24, s13, $0xb8;
	[tilespmem:$0xB620] =	vst v63  }
0x51: {  	s24 =	sadd.s32 $0xA0, s23  }
0x52: {  	[tilespmem:s16], [sflag:$0x1] =	stream.indirect.gather [hbm4b:s4+s13], $0x10, s24, s13, $0xb8;
	[tilespmem:$0xB620] =	vst v63  }
0x53: {  	s24 =	sadd.s32 $0xF0, s23  }
0x54: {  	[tilespmem:s17], [sflag:$0x1] =	stream.indirect.gather [hbm4b:s4+s13], $0x10, s24, s13, $0xb8;
	[tilespmem:$0xB620] =	vst v63  }
0x55: {  	s24 =	sadd.s32 $0x140, s23  }
0x56: {  	[tilespmem:s18], [sflag:$0x1] =	stream.indirect.gather [hbm4b:s4+s13], $0x10, s24, s13, $0xb8;
	[tilespmem:$0xB620] =	vst v63  }
0x57: {  	_ =	swait.ge [sflag:s19], $0x500  }
0x58: {  	[sflag:s19] =	ssyncset.done $0x0  }
0x59: {  	[sflag:s19] =	ssyncadd.s32 $0xFFFFFB00  }
0x5a: {  	_ =	swait.ge [sflag:s19], $0x500  }
0x5b: {  	[sflag:s19] =	ssyncset.done $0x0  }
0x5c: {  	[sflag:s19] =	ssyncadd.s32 $0xFFFFFB00  }
0x5d: {  	_ =	swait.ge [sflag:s19], $0x500  }
0x5e: {  	[sflag:s19] =	ssyncset.done $0x0  }
0x5f: {  	[sflag:s19] =	ssyncadd.s32 $0xFFFFFB00  }
0x60: {  	_ =	swait.ge [sflag:s19], $0x500  }
0x61: {  	[sflag:s19] =	ssyncset.done $0x0  }
0x62: {  	[sflag:s19] =	ssyncadd.s32 $0xFFFFFB00  }
0x63: {  	_ =	swait.ge [sflag:s19], $0x500  }
0x64: {  	[sflag:s19] =	ssyncset.done $0x0  }
0x65: {  	s24 =	sadd.s32 $0x2710, s23;
	[sflag:s19] =	ssyncadd.s32 $0xFFFFFB00  }
0x66: {  	[spmem:s2] =	stream.indirect.scatter.add.f32 [tilespmem:s14], [sflag:$0x2], $0x10, s24, s13, $0xb8;
	[tilespmem:$0xB620] =	vst v63  }
0x67: {  	_ =	swait.ge [sflag:s10], $0x500  }
0x68: {  	[sflag:s10] =	ssyncset.done $0x0  }
0x69: {  	s24 =	sadd.s32 $0x2760, s23;
	[sflag:s10] =	ssyncadd.s32 $0xFFFFFB00  }
0x6a: {  	[spmem:s2] =	stream.indirect.scatter.add.f32 [tilespmem:s15], [sflag:$0x2], $0x10, s24, s13, $0xb8;
	[tilespmem:$0xB620] =	vst v63  }
0x6b: {  	_ =	swait.ge [sflag:s10], $0x500  }
0x6c: {  	[sflag:s10] =	ssyncset.done $0x0  }
0x6d: {  	s24 =	sadd.s32 $0x27B0, s23;
	[sflag:s10] =	ssyncadd.s32 $0xFFFFFB00  }
0x6e: {  	[spmem:s2] =	stream.indirect.scatter.add.f32 [tilespmem:s16], [sflag:$0x2], $0x10, s24, s13, $0xb8;
	[tilespmem:$0xB620] =	vst v63  }
0x6f: {  	_ =	swait.ge [sflag:s10], $0x500  }
0x70: {  	[sflag:s10] =	ssyncset.done $0x0  }
0x71: {  	s24 =	sadd.s32 $0x2800, s23;
	[sflag:s10] =	ssyncadd.s32 $0xFFFFFB00  }
0x72: {  	[spmem:s2] =	stream.indirect.scatter.add.f32 [tilespmem:s17], [sflag:$0x2], $0x10, s24, s13, $0xb8;
	[tilespmem:$0xB620] =	vst v63  }
0x73: {  	_ =	swait.ge [sflag:s10], $0x500  }
.Ltmp1:
0x74: {  	[sflag:s10] =	ssyncset.done $0x0;
	(pc) =	sbr.rel @p0 .LBB2_4-.Ltmp1, $4  }
0x75: {  	s23 =	sadd.s32 $0x2850, s23;
	[sflag:s10] =	ssyncadd.s32 $0xFFFFFB00  }
0x76: {  	[spmem:s2] =	stream.indirect.scatter.add.f32 [tilespmem:s18], [sflag:$0x2], $0x10, s23, s13, $0xb8;
	[tilespmem:$0xB620] =	vst v63  }
0x77: {  	_ =	swait.ge [sflag:s10], $0x500  }
0x78: {  	s24 =	smov.u32 s22;
	[sflag:s10] =	ssyncset.done $0x0  }
0x79: {  	s21 =	sshra.s32 s21, $0x2;
	[sflag:s10] =	ssyncadd.s32 $0xFFFFFB00  }
0x7a: {  	[tilespmem:s14], [sflag:$0x1] =	stream.indirect.gather [hbm4b:s4+s13], $0x10, s21, s13, $0xb8;
	[tilespmem:$0xB620] =	vst v63  }
0x7b: {  	s22 =	sadd.s32 $0x50, s21  }
0x7c: {  	[tilespmem:s15], [sflag:$0x1] =	stream.indirect.gather [hbm4b:s4+s13], $0x10, s22, s13, $0xb8;
	[tilespmem:$0xB620] =	vst v63  }
0x7d: {  	s24 =	sadd.s32 $0xA0, s21  }
0x7e: {  	[tilespmem:s16], [sflag:$0x1] =	stream.indirect.gather [hbm4b:s4+s13], $0x10, s24, s13, $0xb8;
	[tilespmem:$0xB620] =	vst v63  }
0x7f: {  	s25 =	sadd.s32 $0xF0, s21  }
0x80: {  	[tilespmem:s17], [sflag:$0x1] =	stream.indirect.gather [hbm4b:s4+s13], $0x10, s25, s13, $0xb8;
	[tilespmem:$0xB620] =	vst v63  }
0x81: {  	s26 =	sadd.s32 $0x140, s21  }
0x82: {  	[tilespmem:s18], [sflag:$0x1] =	stream.indirect.gather [hbm4b:s4+s13], $0x10, s26, s13, $0xb8;
	[tilespmem:$0xB620] =	vst v63  }
0x83: {  	_ =	swait.ge [sflag:s19], $0x500  }
0x84: {  	[sflag:s19] =	ssyncset.done $0x0  }
0x85: {  	[sflag:s19] =	ssyncadd.s32 $0xFFFFFB00  }
0x86: {  	_ =	swait.ge [sflag:s19], $0x500  }
0x87: {  	[sflag:s19] =	ssyncset.done $0x0  }
0x88: {  	[sflag:s19] =	ssyncadd.s32 $0xFFFFFB00  }
0x89: {  	_ =	swait.ge [sflag:s19], $0x500  }
0x8a: {  	[sflag:s19] =	ssyncset.done $0x0  }
0x8b: {  	[sflag:s19] =	ssyncadd.s32 $0xFFFFFB00  }
0x8c: {  	_ =	swait.ge [sflag:s19], $0x500  }
0x8d: {  	[sflag:s19] =	ssyncset.done $0x0  }
0x8e: {  	[sflag:s19] =	ssyncadd.s32 $0xFFFFFB00  }
0x8f: {  	_ =	swait.ge [sflag:s19], $0x500  }
0x90: {  	[sflag:s19] =	ssyncset.done $0x0  }
0x91: {  	s28 =	sadd.s32 $0x2710, s21;
	[sflag:s19] =	ssyncadd.s32 $0xFFFFFB00  }
0x92: {  	[spmem:s2] =	stream.indirect.scatter.add.f32 [tilespmem:s14], [sflag:$0x2], $0x10, s28, s13, $0xb8;
	[tilespmem:$0xB620] =	vst v63  }
0x93: {  	_ =	swait.ge [sflag:s10], $0x500  }
0x94: {  	[sflag:s10] =	ssyncset.done $0x0  }
0x95: {  	s29 =	sadd.s32 $0x2760, s21;
	[sflag:s10] =	ssyncadd.s32 $0xFFFFFB00  }
0x96: {  	[spmem:s2] =	stream.indirect.scatter.add.f32 [tilespmem:s15], [sflag:$0x2], $0x10, s29, s13, $0xb8;
	[tilespmem:$0xB620] =	vst v63  }
0x97: {  	_ =	swait.ge [sflag:s10], $0x500  }
0x98: {  	[sflag:s10] =	ssyncset.done $0x0  }
0x99: {  	s30 =	sadd.s32 $0x27B0, s21;
	[sflag:s10] =	ssyncadd.s32 $0xFFFFFB00  }
0x9a: {  	[spmem:s2] =	stream.indirect.scatter.add.f32 [tilespmem:s16], [sflag:$0x2], $0x10, s30, s13, $0xb8;
	[tilespmem:$0xB620] =	vst v63  }
0x9b: {  	_ =	swait.ge [sflag:s10], $0x500  }
0x9c: {  	[sflag:s10] =	ssyncset.done $0x0  }
0x9d: {  	s31 =	sadd.s32 $0x2800, s21;
	[sflag:s10] =	ssyncadd.s32 $0xFFFFFB00  }
0x9e: {  	[spmem:s2] =	stream.indirect.scatter.add.f32 [tilespmem:s17], [sflag:$0x2], $0x10, s31, s13, $0xb8;
	[tilespmem:$0xB620] =	vst v63  }
0x9f: {  	_ =	swait.ge [sflag:s10], $0x500  }
0xa0: {  	[sflag:s10] =	ssyncset.done $0x0  }
0xa1: {  	s21 =	sadd.s32 $0x2850, s21;
	[sflag:s10] =	ssyncadd.s32 $0xFFFFFB00  }
0xa2: {  	[spmem:s2] =	stream.indirect.scatter.add.f32 [tilespmem:s18], [sflag:$0x2], $0x10, s21, s13, $0xb8;
	[tilespmem:$0xB620] =	vst v63  }
0xa3: {  	_ =	swait.ge [sflag:s10], $0x500  }
0xa4: {  	[sflag:s10] =	ssyncset.done $0x0  }
0xa5: {  	[sflag:s10] =	ssyncadd.s32 $0xFFFFFB00  }
0xa6: {  	[bflag:$0x0] =	sbarrier.arrive $0xFFFF  }
0xa7: {  	[tilespmem:s12], [sflag:$0x2] =	stream.linear.gather [spmem:s7], $0x2780, $0x38;
	[tilespmem:$0xB620] =	vst v63  }
0xa8: {  	s20 =	sadd.s32 $0x1, s20;
	_ =	swait.ge [sflag:s10], $0x2780  }
0xa9: {  	p0 =	sne.s32 s20, s9;
	[sflag:s10] =	ssyncset.done $0x0  }
.Ltmp2:
0xaa: {  	[sflag:s10] =	ssyncadd.s32 $0xFFFFD880;
	(pc) =	sbr.rel @p0 .LBB2_1-.Ltmp2, $4  }
0xab: {  	[hbm4b:s8+s3] =	stream.linear.scatter [tilespmem:s12], [sflag:$0x2], $0x2780, $0x38;
	[tilespmem:$0xB620] =	vst v63  }
0xac: {  	_ =	swait.ge [sflag:s10], $0x2780  }
0xad: {  	[sflag:s10] =	ssyncset.done $0x0  }
0xae: {  	[sflag:s10] =	ssyncadd.s32 $0xFFFFD880  }
0xaf: {  	_ =	sfence.sel $0x180000  }
0xb0: {  	[bflag:$0x0] =	sbarrier.arrive $0xFFFF  }
0xb1: {  	p0 =	sne.s32 s0, $0x0;
	_ =	strace $0x9000004A  }
0xb2: {  	s0 =	sadd.s32 @!p0 $0x100000, s1;
	[bflag:$0x2] =	sbarrier.arrive $0xFFFF  }
0xb3: {  	[sflag:s0] =	ssyncadd.tile.s32 @!p0 $0x1;
	_ =	shalt  }
.Lfunc_end2:
_tile_overlayer_lowered:
.L_overlay_start_2:
0xb4: {  	(tag) =	ssettag $0x2  }
0xb5: {  	s0 =	rddreg [dreg:$0x0];
	s2 =	stileid.u32  }
0xb6: {  	s1 =	rddreg [dreg:$0x1];
	p0 =	sne.s32 s2, $0x0  }
0xb7: {  	s3 =	rddreg [dreg:$0x2];
	[bflag:$0x3] =	sbarrier.arrive $0xFFFF;
	s2 =	simm.s32 @!p0 $0x1C02  }
0xb8: {  	[timem:s3], [sflag:s2] =	dma.local @!p0 [hbm:s0], s1  }
0xb9: {  	s0 =	simm.s32 @!p0 $0x2  }
0xba: {  	_ =	swait.ge @!p0 [sflag:s0], s1  }
0xbb: {  	s1 =	ssub.s32 @!p0 $0x0, s1;
	[sflag:s0] =	ssyncset.done @!p0 $0x0  }
0xbc: {  	[sflag:s0] =	ssyncadd.s32 @!p0 s1  }
0xbd: {  	[bflag:$0x3] =	sbarrier.arrive $0xFFFF  }
0xbe: {  	_ =	shalt  }

// kernel: kernel.14.cloned.1.call-start
scs
__scs_entry_jumppad:
0x0: {  	(pc) =	sbr.rel $0x88, $3  }
0x1: {  	(tag) =	ssettag $0x0;
	lr =	simm.s32 $0x1  }
0x2: {  	[smem:$0x3F9B] =	sst lr;
	_ =	strace $0xD0000000  }
0x3: {  	_ = 	snop  }
0x4: {  	_ = 	snop  }
0x5: {  	_ = 	snop  }
0x6: {  	_ = 	snop  }
0x7: {  	_ = 	snop  }
__scs_overlays_trampoline_lowered:
0x8: {  	[smem:$0x3FAA] =	sst s0  }
0x9: {  	[smem:$0x3FAB] =	sst s1  }
0xa: {  	[smem:$0x3FAC] =	sst s2  }
0xb: {  	[smem:$0x3FAD] =	sst s3  }
0xc: {  	[smem:$0x3FAE] =	sst s4  }
0xd: {  	[smem:$0x3FAF] =	sst s5  }
0xe: {  	[smem:$0x3FB0] =	sst s6  }
0xf: {  	[smem:$0x3FB1] =	sst s7  }
0x10: {  	[smem:$0x3FB2] =	sst s8  }
0x11: {  	[smem:$0x3FB3] =	sst s9;
	s0 =	simm.s32 @!p0 $0x0  }
0x12: {  	s1 =	sld [smem:$0x3F99];
	s0 =	simm.s32 @p0 $0x1  }
0x13: {  	[smem:$0x3FB4] =	sst s0;
	s0 =	simm.s32 @!p1 $0x0  }
0x14: {  	s2 =	sld [smem:$0x3F98];
	s0 =	simm.s32 @p1 $0x1  }
0x15: {  	[smem:$0x3FB5] =	sst s0;
	s0 =	simm.s32 @!p2 $0x0  }
0x16: {  	s3 =	sld [smem:$0x3FDB];
	s0 =	simm.s32 @p2 $0x1  }
0x17: {  	s4 =	simm.s32 $0x1BF5;
	[smem:$0x3FB7] =	sst s0  }
0x18: {  	s0 =	sld [smem:$0x3F9A];
	_ =	swait.ge [sflag:s4], $0x0  }
0x19: {  	s7 =	sld [smem:$0x3F9B]  }
0x1a: {  	s8 =	sadd.s32 $0xFFFFE003, lr  }
0x1b: {  	s9 =	sadd.s32 $0xFFFFFEF7, lr;
	s5 =	simm.s32 $0xFFFFFFFF;
	p2 =	slt.u32 s8, $0xFFFFF086  }
0x1c: {  	p1 =	slt.u32 s9, $0xF7A;
	s5 =	simm.s32 @!p2 $0x0  }
0x1d: {  	s5 =	simm.s32 @p1 $0x1;
	p0 =	seq.s32 s7, s2  }
0x1e: {  	s7 =	smul.u32 @!p0 $0xF7A, s2;
	p2 =	seq.s32 @!p0 s5, $0x0  }
0x1f: {  	s9 =	smul.u32 $0xF7A, s1;
	s8 =	simm.s32 @!p0 $0x1BF5;
	p2 =	por !p2, p0  }
0x20: {  	[sflag:s8] =	ssyncset.s32 @!p0 $0xFFFFF086;
	s6 =	sadd.s32 @!p0 s3, s7;
	s7 =	simm.s32 @!p0 $0x108  }
0x21: {  	s3 =	sadd.s32 s3, s9;
	s6 =	sadd.s32 @!p0 $0x88, s6;
	s7 =	simm.s32 @p2 $0x1082  }
0x22: {  	[simem:s7], [sflag:s8] =	dma.local @!p0 [hbm:s6], $0xF7A  }
0x23: {  	s9 =	sor.u32 $0xD0000000, s2;
	s6 =	simm.s32 $0x108;
	_ =	swait.ge @!p0 [sflag:s8], $0x0  }
0x24: {  	s3 =	sadd.s32 $0x88, s3;
	s6 =	simm.s32 @!p1 $0x1082;
	[sflag:s4] =	ssyncset.s32 $0xFFFFF086  }
0x25: {  	[simem:s6], [sflag:s4] =	dma.local [hbm:s3], $0xF7A  }
0x26: {  	[smem:$0x3F9B] =	sst s1;
	(tag) =	ssettag s2;
	_ =	strace s9  }
0x27: {  	s1 =	sld [smem:$0x3FAB]  }
0x28: {  	s2 =	sld [smem:$0x3FAC]  }
0x29: {  	s4 =	sld [smem:$0x3FAE]  }
0x2a: {  	p0 =	seq.s32 s5, $0x0;
	s5 =	sld [smem:$0x3FAF]  }
0x2b: {  	s6 =	sld [smem:$0x3FB0]  }
0x2c: {  	s7 =	sld [smem:$0x3FB1]  }
0x2d: {  	s3 =	simm.s32 $0x108;
	s8 =	sld [smem:$0x3FB2]  }
0x2e: {  	s3 =	simm.s32 @!p0 $0x1082;
	s9 =	sld [smem:$0x3FB3]  }
0x2f: {  	lr =	sadd.s32 s0, s3;
	s0 =	sld [smem:$0x3FAA]  }
0x30: {  	s3 =	sld [smem:$0x3FAD]  }
0x31: {  	[smem:$0x3FB6] =	sst s10  }
0x32: {  	s10 =	sld [smem:$0x3FB4];
	_ =	sdelay $0x3  }
0x33: {  	p0 =	seq.s32 s10, $0x1;
	s10 =	sld [smem:$0x3FB6];
	_ =	sdelay $0x3  }
0x34: {  	[smem:$0x3FB6] =	sst s10  }
0x35: {  	s10 =	sld [smem:$0x3FB5];
	_ =	sdelay $0x3  }
0x36: {  	p1 =	seq.s32 s10, $0x1;
	s10 =	sld [smem:$0x3FB6];
	_ =	sdelay $0x3  }
0x37: {  	[smem:$0x3FB6] =	sst s10  }
0x38: {  	s10 =	sld [smem:$0x3FB7]  }
0x39: {  	_ = 	snop;
	(pc) =	sbr.ind lr, $3  }
0x3a: {  	_ = 	snop  }
0x3b: {  	_ = 	snop  }
0x3c: {  	p2 =	seq.s32 s10, $0x1;
	s10 =	sld [smem:$0x3FB6]  }
0x3d: {  	_ =	shalt  }
0x3e: {  	_ =	shalt  }
0x3f: {  	_ =	shalt  }
0x40: {  	_ =	shalt  }
0x41: {  	_ =	shalt  }
0x42: {  	_ =	shalt  }
0x43: {  	_ =	shalt  }
0x44: {  	_ =	shalt  }
0x45: {  	_ =	shalt  }
0x46: {  	_ =	shalt  }
0x47: {  	_ =	shalt  }
0x48: {  	_ =	shalt  }
0x49: {  	_ =	shalt  }
0x4a: {  	_ =	shalt  }
0x4b: {  	_ =	shalt  }
0x4c: {  	_ =	shalt  }
0x4d: {  	_ =	shalt  }
0x4e: {  	_ =	shalt  }
0x4f: {  	_ =	shalt  }
0x50: {  	_ =	shalt  }
0x51: {  	_ =	shalt  }
0x52: {  	_ =	shalt  }
0x53: {  	_ =	shalt  }
0x54: {  	_ =	shalt  }
0x55: {  	_ =	shalt  }
0x56: {  	_ =	shalt  }
0x57: {  	_ =	shalt  }
0x58: {  	_ =	shalt  }
0x59: {  	_ =	shalt  }
0x5a: {  	_ =	shalt  }
0x5b: {  	_ =	shalt  }
0x5c: {  	_ =	shalt  }
0x5d: {  	_ =	shalt  }
0x5e: {  	_ =	shalt  }
0x5f: {  	_ =	shalt  }
0x60: {  	_ =	shalt  }
0x61: {  	_ =	shalt  }
0x62: {  	_ =	shalt  }
0x63: {  	_ =	shalt  }
0x64: {  	_ =	shalt  }
0x65: {  	_ =	shalt  }
0x66: {  	_ =	shalt  }
0x67: {  	_ =	shalt  }
0x68: {  	_ =	shalt  }
0x69: {  	_ =	shalt  }
0x6a: {  	_ =	shalt  }
0x6b: {  	_ =	shalt  }
0x6c: {  	_ =	shalt  }
0x6d: {  	_ =	shalt  }
0x6e: {  	_ =	shalt  }
0x6f: {  	_ =	shalt  }
0x70: {  	_ =	shalt  }
0x71: {  	_ =	shalt  }
0x72: {  	_ =	shalt  }
0x73: {  	_ =	shalt  }
0x74: {  	_ =	shalt  }
0x75: {  	_ =	shalt  }
0x76: {  	_ =	shalt  }
0x77: {  	_ =	shalt  }
0x78: {  	_ =	shalt  }
0x79: {  	_ =	shalt  }
0x7a: {  	_ =	shalt  }
0x7b: {  	_ =	shalt  }
0x7c: {  	_ =	shalt  }
0x7d: {  	_ =	shalt  }
0x7e: {  	_ =	shalt  }
0x7f: {  	_ =	shalt  }
0x80: {  	_ =	shalt  }
0x81: {  	_ =	shalt  }
0x82: {  	_ =	shalt  }
0x83: {  	_ =	shalt  }
0x84: {  	_ =	shalt  }
0x85: {  	_ =	shalt  }
0x86: {  	_ =	shalt  }
0x87: {  	_ =	shalt  }
.Lfunc_end0:
.L_simem_size_0:
called_computation.2_lowered:
.L_overlay_start_0:
0x88: {  	s2 =	sld [smem:$0x3FD9]  }
0x89: {  	s3 =	sld [smem:$0x3FFE];
	_ =	sdelay $0x1  }
0x8a: {  	s1 =	srdreg.scid  }
0x8b: {  	s0 =	sand.u32 $0x1, s1  }
0x8c: {  	s17 =	sshll.u32 s0, $0xA;
	s2 =	sadd.s32 s3, s2  }
0x8d: {  	s2 =	sadd.s32 s2, s17  }
0x8e: {  	[smem:$0x3FC2] =	sst s2  }
0x8f: {  	_ = 	snop  }
0x90: {  	s2 =	sld [smem:$0x3FD0];
	(tm) =	ssettm $0x1  }
0x91: {  	s18 =	sld [smem:$0x3FFB];
	_ =	sdelay $0x3  }
0x92: {  	_ =	strace s18  }
0x93: {  	s3 =	sld [smem:$0x3FFC];
	_ =	sdelay $0x3  }
0x94: {  	_ =	strace s3  }
0x95: {  	s3 =	sld [smem:$0x3FFD];
	_ =	sdelay $0x3  }
0x96: {  	_ =	strace s3  }
0x97: {  	_ =	strace $0x8FFFFFFF  }
0x98: {  	s19 =	sld [smem:$0x3FDB];
	_ =	sdelay $0x1  }
0x99: {  	s4 =	simm.s32 $_scs_section_size  }
0x9a: {  	s5 =	simm.s32 $_size__tile_overlayer_lowered;
	s6 =	simm.s32 $_tile_overlayer_lowered  }
0x9b: {  	s22 =	simm.s32 $0x1BFF;
	s21 =	sshll.u32 s6, $0x1;
	s3 =	sadd.s32 s4, s19  }
0x9c: {  	s7 =	simm.s32 $0x0;
	s20 =	sshll.u32 s5, $0x1;
	s5 =	sadd.s32 s21, s3  }
0x9d: {  	[timem:s7], [sflag:s22] =	dma.local [hbm:s5], s20  }
0x9e: {  	_ =	swait.ge [sflag:s22], s20  }
0x9f: {  	s4 =	ssub.s32 $0x0, s20;
	[sflag:s22] =	ssyncset.done $0x0  }
0xa0: {  	[sflag:s22] =	ssyncadd.s32 s4;
	_ =	sdelay $0x1  }
0xa1: {  	s23 =	simm.s32 $0x1B8B  }
0xa2: {  	_ =	swait.ge [sflag:s23], $0x1  }
0xa3: {  	[sflag:s23] =	ssyncset.done $0x0  }
0xa4: {  	s25 =	simm.s32 $0x1B8E;
	s24 =	sld [smem:$0x3FFE];
	[sflag:s23] =	ssyncadd.s32 $0xFFFFFFFF  }
0xa5: {  	s26 =	simm.s32 $execute0_lowered;
	[smem:$0x3FD2] =	sst s25  }
0xa6: {  	s5 =	sshll.u32 s26, $0x1;
	_ =	strace $0x8000004C;
	[dreg:$0x1] =	wrdreg $0xFFFFFFFF  }
0xa7: {  	s28 =	simm.s32 $_size_execute0_lowered;
	s3 =	sadd.s32 s3, s5;
	[dreg:$0x0] =	wrdreg $0x0  }
0xa8: {  	s5 =	sshll.u32 s28, $0x1;
	[dreg:$0x2] =	wrdreg s3  }
0xa9: {  	[dreg:$0x3] =	wrdreg s5  }
0xaa: {  	[dreg:$0x4] =	wrdreg $0xC0  }
0xab: {  	_ =	task [dreg:s7], $0x5FFFF  }
0xac: {  	[dreg:$0x1] =	wrdreg $0xFFFFFFFF  }
0xad: {  	[dreg:$0x0] =	wrdreg $0x60  }
0xae: {  	[dreg:$0x2] =	wrdreg s24  }
0xaf: {  	[dreg:$0x3] =	wrdreg s2  }
0xb0: {  	[dreg:$0x4] =	wrdreg $0x8EA00  }
0xb1: {  	[dreg:$0x5] =	wrdreg $0x9  }
0xb2: {  	_ =	task.clear_ibuf [dreg:s7], $0x6FFFF;
	_ =	strace $0x9000004C  }
0xb3: {  	s29 =	simm.s32 $0x9;
	_ =	strace $0x8000004E  }
0xb4: {  	_ =	swait.ge [sflag:s29], $0x1  }
0xb5: {  	[sflag:s29] =	ssyncadd.s32 $0xFFFFFFFF  }
0xb6: {  	_ =	strace $0x9000004E  }
0xb7: {  	_ =	sfence  }
0xb8: {  	s30 =	sld [smem:$0x0];
	_ =	sdelay $0x2  }
0xb9: {  	s31 =	sshll.u32 s1, $0xD;
	s1 =	sshrl.u32 s1, $0x2  }
0xba: {  	s3 =	sand.u32 $0x4000, s31;
	s1 =	sadd.s32 s1, s30  }
0xbb: {  	s0 =	sor.u32 s3, s0;
	s1 =	sshll.u32 s1, $0x11  }
0xbc: {  	s0 =	sor.u32 s1, s0  }
0xbd: {  	s0 =	sadd.s32 $0x8F2B, s0  }
0xbe: {  	[sflag:s0] =	ssyncadd.remote.s32 $0x1  }
0xbf: {  	_ =	sfence.sel $0xFFFF  }
0xc0: {  	[dreg:$0x0] =	wrdreg $0xFFFFFFFF;
	(pc) =	sbr.abs _section_cstart, $3  }
0xc1: {  	[dreg:$0x1] =	wrdreg $0xFFFFFFFF  }
0xc2: {  	_ =	task.clear_ibuf [dreg:s7], $0x2FFFF;
	_ =	strace $0x9FFFFFFF  }
0xc3: {  	(tm) =	ssettm $0x7FFFFFFF  }
tec
execute0_lowered:
.L_overlay_start_1:
0x0: {  	(tag) =	ssettag $0x1  }
0x1: {  	s5 =	rddreg [dreg:$0x0]  }
0x2: {  	s1 =	srdreg.scid;
	s8 =	rddreg [dreg:$0x1]  }
0x3: {  	s0 =	stileid.u32;
	s2 =	rddreg [dreg:$0x2]  }
0x4: {  	s3 =	simm.s32 $0x0;
	s12 =	simm.s32 $0x4E20;
	s13 =	simm.s32 $0x50  }
0x5: {  	s14 =	simm.s32 $0x75A0;
	s15 =	simm.s32 $0x7AA0;
	s16 =	simm.s32 $0x7FA0  }
0x6: {  	s17 =	simm.s32 $0x84A0;
	s18 =	simm.s32 $0x89A0;
	s19 =	simm.s32 $0x1  }
0x7: {  	s6 =	sand.u32 $0x1, s1;
	s30 =	sshll.u32 s0, $0x1;
	s9 =	smul.u32 $0x2780, s0  }
0x8: {  	s20 =	simm.s32 $0x0;
	s1 =	sor.u32 s6, s30;
	s10 =	smul.u32 $0x27800, s6  }
0x9: {  	[smem:$0x7FF] =	sst s3;
	s4 =	sadd.s32 $0x15200, s5;
	s7 =	smul.u32 $0x4E2, s1  }
0xa: {  	s6 =	ssub.s32 $0x2, s6;
	s1 =	rddreg [dreg:$0x3];
	_ =	strace $0x8000004D  }
0xb: {  	s31 =	sshrl.u32 s6, $0x1;
	s10 =	sadd.s32 s9, s10;
	s7 =	sadd.s32 s7, s5  }
0xc: {  	s11 =	ssub.s32 s6, s31;
	s10 =	sshrl.u32 s10, $0x3;
	s5 =	sadd.s32 $0x1600, s7  }
0xd: {  	s6 =	sadd.s32 $0xB400, s7;
	s7 =	sadd.s32 s9, s2;
	s8 =	sadd.s32 s8, s10  }
0xe: {  	v0 =	vimm.f32 $0.0e+00;
	s9 =	smax.u32 s11, $0x1;
	s10 =	simm.s32 $0x2;
	s11 =	simm.s32 $0x2710  }
.LBB2_1:
0xf: {  	[tilespmem:s3], [sflag:$0x2] =	stream.linear.gather [hbm4b:s5+s3], $0x2710, $0x38;
	[tilespmem:$0xB620] =	vst v63  }
0x10: {  	_ =	swait.ge [sflag:s10], $0x2710  }
0x11: {  	[sflag:s10] =	ssyncset.done $0x0  }
0x12: {  	[sflag:s10] =	ssyncadd.s32 $0xFFFFD8F0  }
0x13: {  	[tilespmem:s11], [sflag:$0x2] =	stream.linear.gather [hbm4b:s6+s3], $0x2710, $0x38;
	[tilespmem:$0xB620] =	vst v63  }
0x14: {  	_ =	swait.ge [sflag:s10], $0x2710  }
0x15: {  	[sflag:s10] =	ssyncset.done $0x0  }
0x16: {  	s21 =	simm.s32 $0x40;
	s22 =	simm.s32 $0x0;
	[sflag:s10] =	ssyncadd.s32 $0xFFFFD8F0  }
.LBB2_2:
0x17: {  	p0 =	sne.s32 s21, $0x9DC0;
	[tilespmem:s22+$0x4E20] =	vst v0;
	s22 =	smov.u32 s21;
	s21 =	sadd.s32 $0x40, s21  }
.Ltmp0:
0x18: {  	(pc) =	sbr.rel @p0 .LBB2_2-.Ltmp0, $2  }
0x19: {  	_ =	sdelay $0x2  }
0x1a: {  	s22 =	sshra.s32 s22, $0x2  }
0x1b: {  	[tilespmem:s22+$0x4E20] =	vst v0  }
0x1c: {  	[spmem:s7] =	stream.linear.scatter [tilespmem:s12], [sflag:$0x2], $0x2780, $0x38;
	[tilespmem:$0xB620] =	vst v63  }
0x1d: {  	_ =	swait.ge [sflag:s10], $0x2780  }
0x1e: {  	[sflag:s10] =	ssyncset.done $0x0  }
0x1f: {  	[sflag:s10] =	ssyncadd.s32 $0xFFFFD880  }
0x20: {  	s21 =	simm.s32 $0x0;
	[bflag:$0x0] =	sbarrier.arrive $0xFFFF  }
0x21: {  	[tilespmem:s14], [sflag:$0x1] =	stream.indirect.gather [hbm4b:s4+s13], $0x10, s21, s13, $0xb8;
	[tilespmem:$0xB620] =	vst v63  }
0x22: {  	s22 =	simm.s32 $0x50  }
0x23: {  	[tilespmem:s15], [sflag:$0x1] =	stream.indirect.gather [hbm4b:s4+s13], $0x10, s22, s13, $0xb8;
	[tilespmem:$0xB620] =	vst v63  }
0x24: {  	s23 =	simm.s32 $0xA0  }
0x25: {  	[tilespmem:s16], [sflag:$0x1] =	stream.indirect.gather [hbm4b:s4+s13], $0x10, s23, s13, $0xb8;
	[tilespmem:$0xB620] =	vst v63  }
0x26: {  	s24 =	simm.s32 $0xF0  }
0x27: {  	[tilespmem:s17], [sflag:$0x1] =	stream.indirect.gather [hbm4b:s4+s13], $0x10, s24, s13, $0xb8;
	[tilespmem:$0xB620] =	vst v63  }
0x28: {  	s25 =	simm.s32 $0x140  }
0x29: {  	[tilespmem:s18], [sflag:$0x1] =	stream.indirect.gather [hbm4b:s4+s13], $0x10, s25, s13, $0xb8;
	[tilespmem:$0xB620] =	vst v63  }
0x2a: {  	_ =	swait.ge [sflag:s19], $0x500  }
0x2b: {  	[sflag:s19] =	ssyncset.done $0x0  }
0x2c: {  	[sflag:s19] =	ssyncadd.s32 $0xFFFFFB00  }
0x2d: {  	_ =	swait.ge [sflag:s19], $0x500  }
0x2e: {  	[sflag:s19] =	ssyncset.done $0x0  }
0x2f: {  	[sflag:s19] =	ssyncadd.s32 $0xFFFFFB00  }
0x30: {  	_ =	swait.ge [sflag:s19], $0x500  }
0x31: {  	[sflag:s19] =	ssyncset.done $0x0  }
0x32: {  	[sflag:s19] =	ssyncadd.s32 $0xFFFFFB00  }
0x33: {  	_ =	swait.ge [sflag:s19], $0x500  }
0x34: {  	[sflag:s19] =	ssyncset.done $0x0  }
0x35: {  	[sflag:s19] =	ssyncadd.s32 $0xFFFFFB00  }
0x36: {  	_ =	swait.ge [sflag:s19], $0x500  }
0x37: {  	[sflag:s19] =	ssyncset.done $0x0  }
0x38: {  	s26 =	simm.s32 $0x2710;
	[sflag:s19] =	ssyncadd.s32 $0xFFFFFB00  }
0x39: {  	[spmem:s2] =	stream.indirect.scatter.add.f32 [tilespmem:s14], [sflag:$0x2], $0x10, s26, s13, $0xb8;
	[tilespmem:$0xB620] =	vst v63  }
0x3a: {  	_ =	swait.ge [sflag:s10], $0x500  }
0x3b: {  	[sflag:s10] =	ssyncset.done $0x0  }
0x3c: {  	s28 =	simm.s32 $0x2760;
	[sflag:s10] =	ssyncadd.s32 $0xFFFFFB00  }
0x3d: {  	[spmem:s2] =	stream.indirect.scatter.add.f32 [tilespmem:s15], [sflag:$0x2], $0x10, s28, s13, $0xb8;
	[tilespmem:$0xB620] =	vst v63  }
0x3e: {  	_ =	swait.ge [sflag:s10], $0x500  }
0x3f: {  	[sflag:s10] =	ssyncset.done $0x0  }
0x40: {  	s29 =	simm.s32 $0x27B0;
	[sflag:s10] =	ssyncadd.s32 $0xFFFFFB00  }
0x41: {  	[spmem:s2] =	stream.indirect.scatter.add.f32 [tilespmem:s16], [sflag:$0x2], $0x10, s29, s13, $0xb8;
	[tilespmem:$0xB620] =	vst v63  }
0x42: {  	_ =	swait.ge [sflag:s10], $0x500  }
0x43: {  	[sflag:s10] =	ssyncset.done $0x0  }
0x44: {  	s30 =	simm.s32 $0x2800;
	[sflag:s10] =	ssyncadd.s32 $0xFFFFFB00  }
0x45: {  	[spmem:s2] =	stream.indirect.scatter.add.f32 [tilespmem:s17], [sflag:$0x2], $0x10, s30, s13, $0xb8;
	[tilespmem:$0xB620] =	vst v63  }
0x46: {  	_ =	swait.ge [sflag:s10], $0x500  }
0x47: {  	[sflag:s10] =	ssyncset.done $0x0  }
0x48: {  	s31 =	simm.s32 $0x2850;
	[sflag:s10] =	ssyncadd.s32 $0xFFFFFB00  }
0x49: {  	[spmem:s2] =	stream.indirect.scatter.add.f32 [tilespmem:s18], [sflag:$0x2], $0x10, s31, s13, $0xb8;
	[tilespmem:$0xB620] =	vst v63  }
0x4a: {  	_ =	swait.ge [sflag:s10], $0x500  }
0x4b: {  	s21 =	simm.s32 $0x640;
	s24 =	simm.s32 $0xC80;
	[sflag:s10] =	ssyncset.done $0x0  }
.LBB2_4:
0x4c: {  	s23 =	sshra.s32 s21, $0x2  }
0x4d: {  	[sflag:s10] =	ssyncadd.s32 $0xFFFFFB00;
	s21 =	smov.u32 s24;
	s22 =	sadd.s32 $0x640, s24  }
0x4e: {  	[tilespmem:s14], [sflag:$0x1] =	stream.indirect.gather [hbm4b:s4+s13], $0x10, s23, s13, $0xb8;
	[tilespmem:$0xB620] =	vst v63  }
0x4f: {  	p0 =	sne.s32 s24, $0x9600;
	s24 =	sadd.s32 $0x50, s23  }
0x50: {  	[tilespmem:s15], [sflag:$0x1] =	stream.indirect.gather [hbm4b:s4+s13], $0x10, s24, s13, $0xb8;
	[tilespmem:$0xB620] =	vst v63  }
0x51: {  	s24 =	sadd.s32 $0xA0, s23  }
0x52: {  	[tilespmem:s16], [sflag:$0x1] =	stream.indirect.gather [hbm4b:s4+s13], $0x10, s24, s13, $0xb8;
	[tilespmem:$0xB620] =	vst v63  }
0x53: {  	s24 =	sadd.s32 $0xF0, s23  }
0x54: {  	[tilespmem:s17], [sflag:$0x1] =	stream.indirect.gather [hbm4b:s4+s13], $0x10, s24, s13, $0xb8;
	[tilespmem:$0xB620] =	vst v63  }
0x55: {  	s24 =	sadd.s32 $0x140, s23  }
0x56: {  	[tilespmem:s18], [sflag:$0x1] =	stream.indirect.gather [hbm4b:s4+s13], $0x10, s24, s13, $0xb8;
	[tilespmem:$0xB620] =	vst v63  }
0x57: {  	_ =	swait.ge [sflag:s19], $0x500  }
0x58: {  	[sflag:s19] =	ssyncset.done $0x0  }
0x59: {  	[sflag:s19] =	ssyncadd.s32 $0xFFFFFB00  }
0x5a: {  	_ =	swait.ge [sflag:s19], $0x500  }
0x5b: {  	[sflag:s19] =	ssyncset.done $0x0  }
0x5c: {  	[sflag:s19] =	ssyncadd.s32 $0xFFFFFB00  }
0x5d: {  	_ =	swait.ge [sflag:s19], $0x500  }
0x5e: {  	[sflag:s19] =	ssyncset.done $0x0  }
0x5f: {  	[sflag:s19] =	ssyncadd.s32 $0xFFFFFB00  }
0x60: {  	_ =	swait.ge [sflag:s19], $0x500  }
0x61: {  	[sflag:s19] =	ssyncset.done $0x0  }
0x62: {  	[sflag:s19] =	ssyncadd.s32 $0xFFFFFB00  }
0x63: {  	_ =	swait.ge [sflag:s19], $0x500  }
0x64: {  	[sflag:s19] =	ssyncset.done $0x0  }
0x65: {  	s24 =	sadd.s32 $0x2710, s23;
	[sflag:s19] =	ssyncadd.s32 $0xFFFFFB00  }
0x66: {  	[spmem:s2] =	stream.indirect.scatter.add.f32 [tilespmem:s14], [sflag:$0x2], $0x10, s24, s13, $0xb8;
	[tilespmem:$0xB620] =	vst v63  }
0x67: {  	_ =	swait.ge [sflag:s10], $0x500  }
0x68: {  	[sflag:s10] =	ssyncset.done $0x0  }
0x69: {  	s24 =	sadd.s32 $0x2760, s23;
	[sflag:s10] =	ssyncadd.s32 $0xFFFFFB00  }
0x6a: {  	[spmem:s2] =	stream.indirect.scatter.add.f32 [tilespmem:s15], [sflag:$0x2], $0x10, s24, s13, $0xb8;
	[tilespmem:$0xB620] =	vst v63  }
0x6b: {  	_ =	swait.ge [sflag:s10], $0x500  }
0x6c: {  	[sflag:s10] =	ssyncset.done $0x0  }
0x6d: {  	s24 =	sadd.s32 $0x27B0, s23;
	[sflag:s10] =	ssyncadd.s32 $0xFFFFFB00  }
0x6e: {  	[spmem:s2] =	stream.indirect.scatter.add.f32 [tilespmem:s16], [sflag:$0x2], $0x10, s24, s13, $0xb8;
	[tilespmem:$0xB620] =	vst v63  }
0x6f: {  	_ =	swait.ge [sflag:s10], $0x500  }
0x70: {  	[sflag:s10] =	ssyncset.done $0x0  }
0x71: {  	s24 =	sadd.s32 $0x2800, s23;
	[sflag:s10] =	ssyncadd.s32 $0xFFFFFB00  }
0x72: {  	[spmem:s2] =	stream.indirect.scatter.add.f32 [tilespmem:s17], [sflag:$0x2], $0x10, s24, s13, $0xb8;
	[tilespmem:$0xB620] =	vst v63  }
0x73: {  	_ =	swait.ge [sflag:s10], $0x500  }
.Ltmp1:
0x74: {  	[sflag:s10] =	ssyncset.done $0x0;
	(pc) =	sbr.rel @p0 .LBB2_4-.Ltmp1, $4  }
0x75: {  	s23 =	sadd.s32 $0x2850, s23;
	[sflag:s10] =	ssyncadd.s32 $0xFFFFFB00  }
0x76: {  	[spmem:s2] =	stream.indirect.scatter.add.f32 [tilespmem:s18], [sflag:$0x2], $0x10, s23, s13, $0xb8;
	[tilespmem:$0xB620] =	vst v63  }
0x77: {  	_ =	swait.ge [sflag:s10], $0x500  }
0x78: {  	s24 =	smov.u32 s22;
	[sflag:s10] =	ssyncset.done $0x0  }
0x79: {  	s21 =	sshra.s32 s21, $0x2;
	[sflag:s10] =	ssyncadd.s32 $0xFFFFFB00  }
0x7a: {  	[tilespmem:s14], [sflag:$0x1] =	stream.indirect.gather [hbm4b:s4+s13], $0x10, s21, s13, $0xb8;
	[tilespmem:$0xB620] =	vst v63  }
0x7b: {  	s22 =	sadd.s32 $0x50, s21  }
0x7c: {  	[tilespmem:s15], [sflag:$0x1] =	stream.indirect.gather [hbm4b:s4+s13], $0x10, s22, s13, $0xb8;
	[tilespmem:$0xB620] =	vst v63  }
0x7d: {  	s24 =	sadd.s32 $0xA0, s21  }
0x7e: {  	[tilespmem:s16], [sflag:$0x1] =	stream.indirect.gather [hbm4b:s4+s13], $0x10, s24, s13, $0xb8;
	[tilespmem:$0xB620] =	vst v63  }
0x7f: {  	s25 =	sadd.s32 $0xF0, s21  }
0x80: {  	[tilespmem:s17], [sflag:$0x1] =	stream.indirect.gather [hbm4b:s4+s13], $0x10, s25, s13, $0xb8;
	[tilespmem:$0xB620] =	vst v63  }
0x81: {  	s26 =	sadd.s32 $0x140, s21  }
0x82: {  	[tilespmem:s18], [sflag:$0x1] =	stream.indirect.gather [hbm4b:s4+s13], $0x10, s26, s13, $0xb8;
	[tilespmem:$0xB620] =	vst v63  }
0x83: {  	_ =	swait.ge [sflag:s19], $0x500  }
0x84: {  	[sflag:s19] =	ssyncset.done $0x0  }
0x85: {  	[sflag:s19] =	ssyncadd.s32 $0xFFFFFB00  }
0x86: {  	_ =	swait.ge [sflag:s19], $0x500  }
0x87: {  	[sflag:s19] =	ssyncset.done $0x0  }
0x88: {  	[sflag:s19] =	ssyncadd.s32 $0xFFFFFB00  }
0x89: {  	_ =	swait.ge [sflag:s19], $0x500  }
0x8a: {  	[sflag:s19] =	ssyncset.done $0x0  }
0x8b: {  	[sflag:s19] =	ssyncadd.s32 $0xFFFFFB00  }
0x8c: {  	_ =	swait.ge [sflag:s19], $0x500  }
0x8d: {  	[sflag:s19] =	ssyncset.done $0x0  }
0x8e: {  	[sflag:s19] =	ssyncadd.s32 $0xFFFFFB00  }
0x8f: {  	_ =	swait.ge [sflag:s19], $0x500  }
0x90: {  	[sflag:s19] =	ssyncset.done $0x0  }
0x91: {  	s28 =	sadd.s32 $0x2710, s21;
	[sflag:s19] =	ssyncadd.s32 $0xFFFFFB00  }
0x92: {  	[spmem:s2] =	stream.indirect.scatter.add.f32 [tilespmem:s14], [sflag:$0x2], $0x10, s28, s13, $0xb8;
	[tilespmem:$0xB620] =	vst v63  }
0x93: {  	_ =	swait.ge [sflag:s10], $0x500  }
0x94: {  	[sflag:s10] =	ssyncset.done $0x0  }
0x95: {  	s29 =	sadd.s32 $0x2760, s21;
	[sflag:s10] =	ssyncadd.s32 $0xFFFFFB00  }
0x96: {  	[spmem:s2] =	stream.indirect.scatter.add.f32 [tilespmem:s15], [sflag:$0x2], $0x10, s29, s13, $0xb8;
	[tilespmem:$0xB620] =	vst v63  }
0x97: {  	_ =	swait.ge [sflag:s10], $0x500  }
0x98: {  	[sflag:s10] =	ssyncset.done $0x0  }
0x99: {  	s30 =	sadd.s32 $0x27B0, s21;
	[sflag:s10] =	ssyncadd.s32 $0xFFFFFB00  }
0x9a: {  	[spmem:s2] =	stream.indirect.scatter.add.f32 [tilespmem:s16], [sflag:$0x2], $0x10, s30, s13, $0xb8;
	[tilespmem:$0xB620] =	vst v63  }
0x9b: {  	_ =	swait.ge [sflag:s10], $0x500  }
0x9c: {  	[sflag:s10] =	ssyncset.done $0x0  }
0x9d: {  	s31 =	sadd.s32 $0x2800, s21;
	[sflag:s10] =	ssyncadd.s32 $0xFFFFFB00  }
0x9e: {  	[spmem:s2] =	stream.indirect.scatter.add.f32 [tilespmem:s17], [sflag:$0x2], $0x10, s31, s13, $0xb8;
	[tilespmem:$0xB620] =	vst v63  }
0x9f: {  	_ =	swait.ge [sflag:s10], $0x500  }
0xa0: {  	[sflag:s10] =	ssyncset.done $0x0  }
0xa1: {  	s21 =	sadd.s32 $0x2850, s21;
	[sflag:s10] =	ssyncadd.s32 $0xFFFFFB00  }
0xa2: {  	[spmem:s2] =	stream.indirect.scatter.add.f32 [tilespmem:s18], [sflag:$0x2], $0x10, s21, s13, $0xb8;
	[tilespmem:$0xB620] =	vst v63  }
0xa3: {  	_ =	swait.ge [sflag:s10], $0x500  }
0xa4: {  	[sflag:s10] =	ssyncset.done $0x0  }
0xa5: {  	[sflag:s10] =	ssyncadd.s32 $0xFFFFFB00  }
0xa6: {  	[bflag:$0x0] =	sbarrier.arrive $0xFFFF  }
0xa7: {  	[tilespmem:s12], [sflag:$0x2] =	stream.linear.gather [spmem:s7], $0x2780, $0x38;
	[tilespmem:$0xB620] =	vst v63  }
0xa8: {  	s20 =	sadd.s32 $0x1, s20;
	_ =	swait.ge [sflag:s10], $0x2780  }
0xa9: {  	p0 =	sne.s32 s20, s9;
	[sflag:s10] =	ssyncset.done $0x0  }
.Ltmp2:
0xaa: {  	[sflag:s10] =	ssyncadd.s32 $0xFFFFD880;
	(pc) =	sbr.rel @p0 .LBB2_1-.Ltmp2, $4  }
0xab: {  	[hbm4b:s8+s3] =	stream.linear.scatter [tilespmem:s12], [sflag:$0x2], $0x2780, $0x38;
	[tilespmem:$0xB620] =	vst v63  }
0xac: {  	_ =	swait.ge [sflag:s10], $0x2780  }
0xad: {  	[sflag:s10] =	ssyncset.done $0x0  }
0xae: {  	[sflag:s10] =	ssyncadd.s32 $0xFFFFD880  }
0xaf: {  	_ =	sfence.sel $0x180000  }
0xb0: {  	[bflag:$0x0] =	sbarrier.arrive $0xFFFF  }
0xb1: {  	p0 =	sne.s32 s0, $0x0;
	_ =	strace $0x9000004D  }
0xb2: {  	s0 =	sadd.s32 @!p0 $0x100000, s1;
	[bflag:$0x2] =	sbarrier.arrive $0xFFFF  }
0xb3: {  	[sflag:s0] =	ssyncadd.tile.s32 @!p0 $0x1;
	_ =	shalt  }
.Lfunc_end2:
_tile_overlayer_lowered:
.L_overlay_start_2:
0xb4: {  	(tag) =	ssettag $0x2  }
0xb5: {  	s0 =	rddreg [dreg:$0x0];
	s2 =	stileid.u32  }
0xb6: {  	s1 =	rddreg [dreg:$0x1];
	p0 =	sne.s32 s2, $0x0  }
0xb7: {  	s3 =	rddreg [dreg:$0x2];
	[bflag:$0x3] =	sbarrier.arrive $0xFFFF;
	s2 =	simm.s32 @!p0 $0x1C02  }
0xb8: {  	[timem:s3], [sflag:s2] =	dma.local @!p0 [hbm:s0], s1  }
0xb9: {  	s0 =	simm.s32 @!p0 $0x2  }
0xba: {  	_ =	swait.ge @!p0 [sflag:s0], s1  }
0xbb: {  	s1 =	ssub.s32 @!p0 $0x0, s1;
	[sflag:s0] =	ssyncset.done @!p0 $0x0  }
0xbc: {  	[sflag:s0] =	ssyncadd.s32 @!p0 s1  }
0xbd: {  	[bflag:$0x3] =	sbarrier.arrive $0xFFFF  }
0xbe: {  	_ =	shalt  }

// kernel: kernel.8.cloned.1.call-start
scs
__scs_entry_jumppad:
0x0: {  	(pc) =	sbr.rel $0x88, $3  }
0x1: {  	(tag) =	ssettag $0x0;
	lr =	simm.s32 $0x1  }
0x2: {  	[smem:$0x3F9B] =	sst lr;
	_ =	strace $0xD0000000  }
0x3: {  	_ = 	snop  }
0x4: {  	_ = 	snop  }
0x5: {  	_ = 	snop  }
0x6: {  	_ = 	snop  }
0x7: {  	_ = 	snop  }
__scs_overlays_trampoline_lowered:
0x8: {  	[smem:$0x3FAA] =	sst s0  }
0x9: {  	[smem:$0x3FAB] =	sst s1  }
0xa: {  	[smem:$0x3FAC] =	sst s2  }
0xb: {  	[smem:$0x3FAD] =	sst s3  }
0xc: {  	[smem:$0x3FAE] =	sst s4  }
0xd: {  	[smem:$0x3FAF] =	sst s5  }
0xe: {  	[smem:$0x3FB0] =	sst s6  }
0xf: {  	[smem:$0x3FB1] =	sst s7  }
0x10: {  	[smem:$0x3FB2] =	sst s8  }
0x11: {  	[smem:$0x3FB3] =	sst s9;
	s0 =	simm.s32 @!p0 $0x0  }
0x12: {  	s1 =	sld [smem:$0x3F99];
	s0 =	simm.s32 @p0 $0x1  }
0x13: {  	[smem:$0x3FB4] =	sst s0;
	s0 =	simm.s32 @!p1 $0x0  }
0x14: {  	s2 =	sld [smem:$0x3F98];
	s0 =	simm.s32 @p1 $0x1  }
0x15: {  	[smem:$0x3FB5] =	sst s0;
	s0 =	simm.s32 @!p2 $0x0  }
0x16: {  	s3 =	sld [smem:$0x3FDB];
	s0 =	simm.s32 @p2 $0x1  }
0x17: {  	s4 =	simm.s32 $0x1BF5;
	[smem:$0x3FB7] =	sst s0  }
0x18: {  	s0 =	sld [smem:$0x3F9A];
	_ =	swait.ge [sflag:s4], $0x0  }
0x19: {  	s7 =	sld [smem:$0x3F9B]  }
0x1a: {  	s8 =	sadd.s32 $0xFFFFE003, lr  }
0x1b: {  	s9 =	sadd.s32 $0xFFFFFEF7, lr;
	s5 =	simm.s32 $0xFFFFFFFF;
	p2 =	slt.u32 s8, $0xFFFFF086  }
0x1c: {  	p1 =	slt.u32 s9, $0xF7A;
	s5 =	simm.s32 @!p2 $0x0  }
0x1d: {  	s5 =	simm.s32 @p1 $0x1;
	p0 =	seq.s32 s7, s2  }
0x1e: {  	s7 =	smul.u32 @!p0 $0xF7A, s2;
	p2 =	seq.s32 @!p0 s5, $0x0  }
0x1f: {  	s9 =	smul.u32 $0xF7A, s1;
	s8 =	simm.s32 @!p0 $0x1BF5;
	p2 =	por !p2, p0  }
0x20: {  	[sflag:s8] =	ssyncset.s32 @!p0 $0xFFFFF086;
	s6 =	sadd.s32 @!p0 s3, s7;
	s7 =	simm.s32 @!p0 $0x108  }
0x21: {  	s3 =	sadd.s32 s3, s9;
	s6 =	sadd.s32 @!p0 $0x88, s6;
	s7 =	simm.s32 @p2 $0x1082  }
0x22: {  	[simem:s7], [sflag:s8] =	dma.local @!p0 [hbm:s6], $0xF7A  }
0x23: {  	s9 =	sor.u32 $0xD0000000, s2;
	s6 =	simm.s32 $0x108;
	_ =	swait.ge @!p0 [sflag:s8], $0x0  }
0x24: {  	s3 =	sadd.s32 $0x88, s3;
	s6 =	simm.s32 @!p1 $0x1082;
	[sflag:s4] =	ssyncset.s32 $0xFFFFF086  }
0x25: {  	[simem:s6], [sflag:s4] =	dma.local [hbm:s3], $0xF7A  }
0x26: {  	[smem:$0x3F9B] =	sst s1;
	(tag) =	ssettag s2;
	_ =	strace s9  }
0x27: {  	s1 =	sld [smem:$0x3FAB]  }
0x28: {  	s2 =	sld [smem:$0x3FAC]  }
0x29: {  	s4 =	sld [smem:$0x3FAE]  }
0x2a: {  	p0 =	seq.s32 s5, $0x0;
	s5 =	sld [smem:$0x3FAF]  }
0x2b: {  	s6 =	sld [smem:$0x3FB0]  }
0x2c: {  	s7 =	sld [smem:$0x3FB1]  }
0x2d: {  	s3 =	simm.s32 $0x108;
	s8 =	sld [smem:$0x3FB2]  }
0x2e: {  	s3 =	simm.s32 @!p0 $0x1082;
	s9 =	sld [smem:$0x3FB3]  }
0x2f: {  	lr =	sadd.s32 s0, s3;
	s0 =	sld [smem:$0x3FAA]  }
0x30: {  	s3 =	sld [smem:$0x3FAD]  }
0x31: {  	[smem:$0x3FB6] =	sst s10  }
0x32: {  	s10 =	sld [smem:$0x3FB4];
	_ =	sdelay $0x3  }
0x33: {  	p0 =	seq.s32 s10, $0x1;
	s10 =	sld [smem:$0x3FB6];
	_ =	sdelay $0x3  }
0x34: {  	[smem:$0x3FB6] =	sst s10  }
0x35: {  	s10 =	sld [smem:$0x3FB5];
	_ =	sdelay $0x3  }
0x36: {  	p1 =	seq.s32 s10, $0x1;
	s10 =	sld [smem:$0x3FB6];
	_ =	sdelay $0x3  }
0x37: {  	[smem:$0x3FB6] =	sst s10  }
0x38: {  	s10 =	sld [smem:$0x3FB7]  }
0x39: {  	_ = 	snop;
	(pc) =	sbr.ind lr, $3  }
0x3a: {  	_ = 	snop  }
0x3b: {  	_ = 	snop  }
0x3c: {  	p2 =	seq.s32 s10, $0x1;
	s10 =	sld [smem:$0x3FB6]  }
0x3d: {  	_ =	shalt  }
0x3e: {  	_ =	shalt  }
0x3f: {  	_ =	shalt  }
0x40: {  	_ =	shalt  }
0x41: {  	_ =	shalt  }
0x42: {  	_ =	shalt  }
0x43: {  	_ =	shalt  }
0x44: {  	_ =	shalt  }
0x45: {  	_ =	shalt  }
0x46: {  	_ =	shalt  }
0x47: {  	_ =	shalt  }
0x48: {  	_ =	shalt  }
0x49: {  	_ =	shalt  }
0x4a: {  	_ =	shalt  }
0x4b: {  	_ =	shalt  }
0x4c: {  	_ =	shalt  }
0x4d: {  	_ =	shalt  }
0x4e: {  	_ =	shalt  }
0x4f: {  	_ =	shalt  }
0x50: {  	_ =	shalt  }
0x51: {  	_ =	shalt  }
0x52: {  	_ =	shalt  }
0x53: {  	_ =	shalt  }
0x54: {  	_ =	shalt  }
0x55: {  	_ =	shalt  }
0x56: {  	_ =	shalt  }
0x57: {  	_ =	shalt  }
0x58: {  	_ =	shalt  }
0x59: {  	_ =	shalt  }
0x5a: {  	_ =	shalt  }
0x5b: {  	_ =	shalt  }
0x5c: {  	_ =	shalt  }
0x5d: {  	_ =	shalt  }
0x5e: {  	_ =	shalt  }
0x5f: {  	_ =	shalt  }
0x60: {  	_ =	shalt  }
0x61: {  	_ =	shalt  }
0x62: {  	_ =	shalt  }
0x63: {  	_ =	shalt  }
0x64: {  	_ =	shalt  }
0x65: {  	_ =	shalt  }
0x66: {  	_ =	shalt  }
0x67: {  	_ =	shalt  }
0x68: {  	_ =	shalt  }
0x69: {  	_ =	shalt  }
0x6a: {  	_ =	shalt  }
0x6b: {  	_ =	shalt  }
0x6c: {  	_ =	shalt  }
0x6d: {  	_ =	shalt  }
0x6e: {  	_ =	shalt  }
0x6f: {  	_ =	shalt  }
0x70: {  	_ =	shalt  }
0x71: {  	_ =	shalt  }
0x72: {  	_ =	shalt  }
0x73: {  	_ =	shalt  }
0x74: {  	_ =	shalt  }
0x75: {  	_ =	shalt  }
0x76: {  	_ =	shalt  }
0x77: {  	_ =	shalt  }
0x78: {  	_ =	shalt  }
0x79: {  	_ =	shalt  }
0x7a: {  	_ =	shalt  }
0x7b: {  	_ =	shalt  }
0x7c: {  	_ =	shalt  }
0x7d: {  	_ =	shalt  }
0x7e: {  	_ =	shalt  }
0x7f: {  	_ =	shalt  }
0x80: {  	_ =	shalt  }
0x81: {  	_ =	shalt  }
0x82: {  	_ =	shalt  }
0x83: {  	_ =	shalt  }
0x84: {  	_ =	shalt  }
0x85: {  	_ =	shalt  }
0x86: {  	_ =	shalt  }
0x87: {  	_ =	shalt  }
.Lfunc_end0:
.L_simem_size_0:
called_computation_lowered:
.L_overlay_start_0:
0x88: {  	s2 =	sld [smem:$0x3FD9]  }
0x89: {  	s3 =	sld [smem:$0x3FFE];
	_ =	sdelay $0x1  }
0x8a: {  	s1 =	srdreg.scid  }
0x8b: {  	s0 =	sand.u32 $0x1, s1  }
0x8c: {  	s17 =	sshll.u32 s0, $0xA;
	s2 =	sadd.s32 s3, s2  }
0x8d: {  	s2 =	sadd.s32 s2, s17  }
0x8e: {  	[smem:$0x3FC2] =	sst s2  }
0x8f: {  	_ = 	snop  }
0x90: {  	s2 =	sld [smem:$0x3FD0];
	(tm) =	ssettm $0x1  }
0x91: {  	s18 =	sld [smem:$0x3FFB];
	_ =	sdelay $0x3  }
0x92: {  	_ =	strace s18  }
0x93: {  	s3 =	sld [smem:$0x3FFC];
	_ =	sdelay $0x3  }
0x94: {  	_ =	strace s3  }
0x95: {  	s3 =	sld [smem:$0x3FFD];
	_ =	sdelay $0x3  }
0x96: {  	_ =	strace s3  }
0x97: {  	_ =	strace $0x8FFFFFFF  }
0x98: {  	s19 =	sld [smem:$0x3FDB];
	_ =	sdelay $0x1  }
0x99: {  	s4 =	simm.s32 $_scs_section_size  }
0x9a: {  	s5 =	simm.s32 $_size__tile_overlayer_lowered;
	s6 =	simm.s32 $_tile_overlayer_lowered  }
0x9b: {  	s22 =	simm.s32 $0x1BFF;
	s21 =	sshll.u32 s6, $0x1;
	s3 =	sadd.s32 s4, s19  }
0x9c: {  	s7 =	simm.s32 $0x0;
	s20 =	sshll.u32 s5, $0x1;
	s5 =	sadd.s32 s21, s3  }
0x9d: {  	[timem:s7], [sflag:s22] =	dma.local [hbm:s5], s20  }
0x9e: {  	_ =	swait.ge [sflag:s22], s20  }
0x9f: {  	s4 =	ssub.s32 $0x0, s20;
	[sflag:s22] =	ssyncset.done $0x0  }
0xa0: {  	[sflag:s22] =	ssyncadd.s32 s4;
	_ =	sdelay $0x1  }
0xa1: {  	s23 =	simm.s32 $0x1B8B  }
0xa2: {  	_ =	swait.ge [sflag:s23], $0x1  }
0xa3: {  	[sflag:s23] =	ssyncset.done $0x0  }
0xa4: {  	s25 =	simm.s32 $0x1B8E;
	s24 =	sld [smem:$0x3FFE];
	[sflag:s23] =	ssyncadd.s32 $0xFFFFFFFF  }
0xa5: {  	s26 =	simm.s32 $execute0_lowered;
	[smem:$0x3FD2] =	sst s25  }
0xa6: {  	s5 =	sshll.u32 s26, $0x1;
	_ =	strace $0x80000046;
	[dreg:$0x1] =	wrdreg $0xFFFFFFFF  }
0xa7: {  	s28 =	simm.s32 $_size_execute0_lowered;
	s3 =	sadd.s32 s3, s5;
	[dreg:$0x0] =	wrdreg $0x0  }
0xa8: {  	s5 =	sshll.u32 s28, $0x1;
	[dreg:$0x2] =	wrdreg s3  }
0xa9: {  	[dreg:$0x3] =	wrdreg s5  }
0xaa: {  	[dreg:$0x4] =	wrdreg $0xC0  }
0xab: {  	_ =	task [dreg:s7], $0x5FFFF  }
0xac: {  	[dreg:$0x1] =	wrdreg $0xFFFFFFFF  }
0xad: {  	[dreg:$0x0] =	wrdreg $0x60  }
0xae: {  	[dreg:$0x2] =	wrdreg s24  }
0xaf: {  	[dreg:$0x3] =	wrdreg s2  }
0xb0: {  	[dreg:$0x4] =	wrdreg $0x53900  }
0xb1: {  	[dreg:$0x5] =	wrdreg $0x9  }
0xb2: {  	_ =	task.clear_ibuf [dreg:s7], $0x6FFFF;
	_ =	strace $0x90000046  }
0xb3: {  	s29 =	simm.s32 $0x9;
	_ =	strace $0x80000048  }
0xb4: {  	_ =	swait.ge [sflag:s29], $0x1  }
0xb5: {  	[sflag:s29] =	ssyncadd.s32 $0xFFFFFFFF  }
0xb6: {  	_ =	strace $0x90000048  }
0xb7: {  	_ =	sfence  }
0xb8: {  	s30 =	sld [smem:$0x0];
	_ =	sdelay $0x2  }
0xb9: {  	s31 =	sshll.u32 s1, $0xD;
	s1 =	sshrl.u32 s1, $0x2  }
0xba: {  	s3 =	sand.u32 $0x4000, s31;
	s1 =	sadd.s32 s1, s30  }
0xbb: {  	s0 =	sor.u32 s3, s0;
	s1 =	sshll.u32 s1, $0x11  }
0xbc: {  	s0 =	sor.u32 s1, s0  }
0xbd: {  	s0 =	sadd.s32 $0x8F2B, s0  }
0xbe: {  	[sflag:s0] =	ssyncadd.remote.s32 $0x1  }
0xbf: {  	_ =	sfence.sel $0xFFFF  }
0xc0: {  	[dreg:$0x0] =	wrdreg $0xFFFFFFFF;
	(pc) =	sbr.abs _section_cstart, $3  }
0xc1: {  	[dreg:$0x1] =	wrdreg $0xFFFFFFFF  }
0xc2: {  	_ =	task.clear_ibuf [dreg:s7], $0x2FFFF;
	_ =	strace $0x9FFFFFFF  }
0xc3: {  	(tm) =	ssettm $0x7FFFFFFF  }
tec
execute0_lowered:
.L_overlay_start_1:
0x0: {  	(tag) =	ssettag $0x1  }
0x1: {  	s4 =	rddreg [dreg:$0x0]  }
0x2: {  	s6 =	rddreg [dreg:$0x1]  }
0x3: {  	s2 =	rddreg [dreg:$0x2]  }
0x4: {  	s0 =	rddreg [dreg:$0x3]  }
0x5: {  	s3 =	srdreg.scid;
	s1 =	stileid.u32  }
0x6: {  	s11 =	simm.s32 $0x4E90;
	s12 =	simm.s32 $0x0;
	s5 =	sand.u32 $0x1, s3  }
0x7: {  	s7 =	sshll.u32 s1, $0x1;
	s8 =	smul.u32 $0x2780, s1;
	s3 =	simm.s32 $0x0  }
0x8: {  	s7 =	sor.u32 s5, s7;
	s9 =	smul.u32 $0x27800, s5;
	s5 =	ssub.s32 $0x2, s5  }
0x9: {  	[smem:$0x7FF] =	sst s3;
	s7 =	smul.u32 $0x4E2, s7;
	s10 =	sshrl.u32 s5, $0x1  }
0xa: {  	_ =	strace $0x80000047;
	s9 =	sadd.s32 s8, s9;
	s31 =	ssub.s32 s5, s10  }
0xb: {  	s5 =	sadd.s32 s8, s2;
	s8 =	simm.s32 $0x1;
	s10 =	simm.s32 $0x50  }
0xc: {  	s4 =	sadd.s32 s7, s4;
	s9 =	sshrl.u32 s9, $0x3;
	s7 =	smax.u32 s31, $0x1  }
0xd: {  	v0 =	vimm.f32 $1.000000000e+00;
	v1 =	vimm.f32 $0.0e+00;
	s4 =	sadd.s32 $0xB400, s4;
	s6 =	sadd.s32 s6, s9;
	s9 =	simm.s32 $0x2710  }
.LBB2_1:
0xe: {  	[tilespmem:s3], [sflag:$0x1] =	stream.linear.gather [hbm4b:s4+s3], $0x2710, $0x38;
	[tilespmem:$0x7B10] =	vst v63  }
0xf: {  	_ =	swait.ge [sflag:s8], $0x2710  }
0x10: {  	[sflag:s8] =	ssyncset.done $0x0  }
0x11: {  	s13 =	simm.s32 $0x0;
	[sflag:s8] =	ssyncadd.s32 $0xFFFFD8F0  }
.LBB2_2:
0x12: {  	p0 =	sne.s32 s13, $0x13C0  }
.Ltmp0:
0x13: {  	_ = 	snop;
	(pc) =	sbr.rel @p0 .LBB2_2-.Ltmp0, $3  }
0x14: {  	_ =	sdelay $0x1  }
0x15: {  	s14 =	sshra.s32 s13, $0x2  }
0x16: {  	s13 =	sadd.s32 $0x40, s13;
	[tilespmem:s14+$0x4E90] =	vst v0  }
0x17: {  	s13 =	simm.s32 $0x40;
	s14 =	simm.s32 $0x0  }
.LBB2_4:
0x18: {  	p0 =	sne.s32 s13, $0x9DC0;
	[tilespmem:s14+$0x2710] =	vst v1;
	s14 =	smov.u32 s13;
	s13 =	sadd.s32 $0x40, s13  }
.Ltmp1:
0x19: {  	(pc) =	sbr.rel @p0 .LBB2_4-.Ltmp1, $2  }
0x1a: {  	_ =	sdelay $0x2  }
0x1b: {  	s14 =	sshra.s32 s14, $0x2  }
0x1c: {  	[tilespmem:s14+$0x2710] =	vst v1  }
0x1d: {  	[spmem:s5] =	stream.linear.scatter [tilespmem:s9], [sflag:$0x1], $0x2780, $0x38;
	[tilespmem:$0x7B10] =	vst v63  }
0x1e: {  	_ =	swait.ge [sflag:s8], $0x2780  }
0x1f: {  	[sflag:s8] =	ssyncset.done $0x0  }
0x20: {  	[sflag:s8] =	ssyncadd.s32 $0xFFFFD880  }
0x21: {  	s13 =	simm.s32 $0x0;
	[bflag:$0x0] =	sbarrier.arrive $0xFFFF  }
0x22: {  	[spmem:s2] =	stream.indirect.scatter.add.f32 [tilespmem:s11], [sflag:$0x1], $0x10, s13, s10, $0xb8;
	[tilespmem:$0x7B10] =	vst v63  }
0x23: {  	_ =	swait.ge [sflag:s8], $0x500  }
0x24: {  	s13 =	simm.s32 $0x140;
	[sflag:s8] =	ssyncset.done $0x0  }
.LBB2_6:
0x25: {  	s14 =	sshra.s32 s13, $0x2;
	[sflag:s8] =	ssyncadd.s32 $0xFFFFFB00;
	p0 =	sne.s32 s13, $0x9B00  }
0x26: {  	[spmem:s2] =	stream.indirect.scatter.add.f32 [tilespmem:s11], [sflag:$0x1], $0x10, s14, s10, $0xb8;
	[tilespmem:$0x7B10] =	vst v63  }
.Ltmp2:
0x27: {  	_ = 	snop;
	(pc) =	sbr.rel @p0 .LBB2_6-.Ltmp2, $4  }
0x28: {  	_ = 	snop  }
0x29: {  	s13 =	sadd.s32 $0x140, s13  }
0x2a: {  	_ =	swait.ge [sflag:s8], $0x500  }
0x2b: {  	[sflag:s8] =	ssyncset.done $0x0  }
0x2c: {  	[sflag:s8] =	ssyncadd.s32 $0xFFFFFB00  }
0x2d: {  	[bflag:$0x0] =	sbarrier.arrive $0xFFFF  }
0x2e: {  	[tilespmem:s9], [sflag:$0x1] =	stream.linear.gather [spmem:s5], $0x2780, $0x38;
	[tilespmem:$0x7B10] =	vst v63  }
0x2f: {  	s12 =	sadd.s32 $0x1, s12;
	_ =	swait.ge [sflag:s8], $0x2780  }
0x30: {  	p0 =	sne.s32 s12, s7;
	[sflag:s8] =	ssyncset.done $0x0  }
.Ltmp3:
0x31: {  	[sflag:s8] =	ssyncadd.s32 $0xFFFFD880;
	(pc) =	sbr.rel @p0 .LBB2_1-.Ltmp3, $4  }
0x32: {  	[hbm4b:s6+s3] =	stream.linear.scatter [tilespmem:s9], [sflag:$0x1], $0x2780, $0x38;
	[tilespmem:$0x7B10] =	vst v63  }
0x33: {  	_ =	swait.ge [sflag:s8], $0x2780  }
0x34: {  	[sflag:s8] =	ssyncset.done $0x0  }
0x35: {  	[sflag:s8] =	ssyncadd.s32 $0xFFFFD880  }
0x36: {  	_ =	sfence.sel $0x180000  }
0x37: {  	[bflag:$0x0] =	sbarrier.arrive $0xFFFF  }
0x38: {  	p0 =	sne.s32 s1, $0x0;
	_ =	strace $0x90000047  }
0x39: {  	s0 =	sadd.s32 @!p0 $0x100000, s0;
	[bflag:$0x2] =	sbarrier.arrive $0xFFFF  }
0x3a: {  	[sflag:s0] =	ssyncadd.tile.s32 @!p0 $0x1;
	_ =	shalt  }
.Lfunc_end2:
_tile_overlayer_lowered:
.L_overlay_start_2:
0x3b: {  	(tag) =	ssettag $0x2  }
0x3c: {  	s0 =	rddreg [dreg:$0x0];
	s2 =	stileid.u32  }
0x3d: {  	s1 =	rddreg [dreg:$0x1];
	p0 =	sne.s32 s2, $0x0  }
0x3e: {  	s3 =	rddreg [dreg:$0x2];
	[bflag:$0x3] =	sbarrier.arrive $0xFFFF;
	s2 =	simm.s32 @!p0 $0x1C01  }
0x3f: {  	[timem:s3], [sflag:s2] =	dma.local @!p0 [hbm:s0], s1  }
0x40: {  	s0 =	simm.s32 @!p0 $0x1  }
0x41: {  	_ =	swait.ge @!p0 [sflag:s0], s1  }
0x42: {  	s1 =	ssub.s32 @!p0 $0x0, s1;
	[sflag:s0] =	ssyncset.done @!p0 $0x0  }
0x43: {  	[sflag:s0] =	ssyncadd.s32 @!p0 s1  }
0x44: {  	[bflag:$0x3] =	sbarrier.arrive $0xFFFF  }
0x45: {  	_ =	shalt  }

</sc_bundles>
